<compile_context>
chip_gen: v7x
topology: tpu7x:2x2x1
jax: 0.10.2.dev20260603
libtpu: 0.0.44.dev20260713+nightly
codegen_flags: <defaults>
</compile_context>

<pallas_src>
import functools

import jax
import jax.numpy as jnp
from jax import lax
from jax.experimental import pallas as pl
from jax.experimental.pallas import tpu as pltpu
from jax.experimental.pallas import tpu_sc as plsc

N = 10000
N_PAD = 10240
D = 128
E = 320000
B = 8192
NC = 2
NS = 16
NW = NC * NS
EPW = E // NW
CH = 80
NCH = EPW // CH
STRIPE = N_PAD // NS
BPW = B // NW

_sc_mesh = plsc.VectorSubcoreMesh(
    core_axis_name="c", subcore_axis_name="s", num_cores=NC, num_subcores=NS)


def _worker_id():
    return lax.axis_index("s") * NC + lax.axis_index("c")


@functools.partial(
    pl.kernel,
    out_type=jax.ShapeDtypeStruct((NC, N_PAD), jnp.float32),
    mesh=_sc_mesh,
    scratch_types=[
        pltpu.VMEM((NCH, CH), jnp.int32),
        pltpu.VMEM((CH,), jnp.float32),
        pltpu.VMEM((STRIPE,), jnp.float32),
        pltpu.SemaphoreType.DMA,
        pltpu.VMEM_SHARED((N_PAD,), jnp.float32),
    ])
def _deg_kernel(dst_hbm, out_hbm, idx_v, ones_v, zbuf_v, sem, deg_sh):
    cid = lax.axis_index("c")
    sid = lax.axis_index("s")
    wid = _worker_id()
    pltpu.sync_copy(dst_hbm.at[wid], idx_v)
    for j in range(CH // 16):
        ones_v[pl.ds(j * 16, 16)] = jnp.ones((16,), jnp.float32)

    def zinit(i, carry):
        zbuf_v[pl.ds(i * 16, 16)] = jnp.zeros((16,), jnp.float32)
        return carry

    lax.fori_loop(0, STRIPE // 16, zinit, 0)
    pltpu.sync_copy(zbuf_v, deg_sh.at[pl.ds(sid * STRIPE, STRIPE)])
    plsc.subcore_barrier()

    def body(c, carry):
        pltpu.async_copy(ones_v, deg_sh.at[idx_v.at[c]], sem, add=True)

        @pl.when(c >= 4)
        def _():
            pltpu.make_async_copy(ones_v, deg_sh.at[idx_v.at[0]], sem).wait()

        return carry

    lax.fori_loop(0, NCH, body, 0)
    for _ in range(4):
        pltpu.make_async_copy(ones_v, deg_sh.at[idx_v.at[0]], sem).wait()
    plsc.subcore_barrier()
    pltpu.sync_copy(deg_sh.at[pl.ds(sid * STRIPE, STRIPE)],
                    out_hbm.at[cid, pl.ds(sid * STRIPE, STRIPE)])


@functools.partial(
    pl.kernel,
    out_type=jax.ShapeDtypeStruct((NC, N_PAD, D), jnp.float32),
    mesh=_sc_mesh,
    scratch_types=[
        pltpu.VMEM((EPW,), jnp.int32),
        pltpu.VMEM((NCH, CH), jnp.int32),
        pltpu.VMEM((CH, D), jnp.float32),
        pltpu.VMEM((CH, D), jnp.float32),
        pltpu.SemaphoreType.DMA,
        pltpu.SemaphoreType.DMA,
        pltpu.VMEM_SHARED((N_PAD, D), jnp.float32),
    ])
def _scatter_kernel(xs_hbm, src_hbm, dst_hbm, out_hbm,
                    src_v, dst_v, rows_a, rows_b,
                    sem_a, sem_b, acc_sh):
    cid = lax.axis_index("c")
    sid = lax.axis_index("s")
    wid = _worker_id()
    pltpu.sync_copy(src_hbm.at[wid], src_v)
    pltpu.sync_copy(dst_hbm.at[wid], dst_v)

    def gather_start(c, buf, sem):
        pltpu.async_copy(xs_hbm.at[src_v.at[pl.ds(c * CH, CH)]], buf, sem)

    def gather_wait(c, buf, sem):
        pltpu.make_async_copy(
            xs_hbm.at[src_v.at[pl.ds(c * CH, CH)]], buf, sem).wait()

    gather_start(0, rows_a, sem_a)
    pltpu.sync_copy(xs_hbm.at[pl.ds(sid * STRIPE, STRIPE)],
                    acc_sh.at[pl.ds(sid * STRIPE, STRIPE)])
    plsc.subcore_barrier()

    def body(i, carry):
        c = 2 * i
        gather_start(c + 1, rows_b, sem_b)
        gather_wait(c, rows_a, sem_a)
        pltpu.sync_copy(rows_a, acc_sh.at[dst_v.at[c]], add=True)
        gather_start(c + 2, rows_a, sem_a)
        gather_wait(c + 1, rows_b, sem_b)
        pltpu.sync_copy(rows_b, acc_sh.at[dst_v.at[c + 1]], add=True)
        return carry

    lax.fori_loop(0, (NCH - 1) // 2, body, 0)
    gather_wait(NCH - 1, rows_a, sem_a)
    pltpu.sync_copy(rows_a, acc_sh.at[dst_v.at[NCH - 1]], add=True)
    plsc.subcore_barrier()
    pltpu.sync_copy(acc_sh.at[pl.ds(sid * STRIPE, STRIPE)],
                    out_hbm.at[cid, pl.ds(sid * STRIPE, STRIPE)])


@functools.partial(
    pl.kernel,
    out_type=[jax.ShapeDtypeStruct((B, D), jnp.float32),
              jax.ShapeDtypeStruct((B, D), jnp.float32)],
    mesh=_sc_mesh,
    scratch_types=[
        pltpu.VMEM((BPW // 128, 128), jnp.int32),
        pltpu.VMEM((BPW // 128, 128), jnp.int32),
        pltpu.VMEM((2, 128, D), jnp.float32),
        pltpu.VMEM((2, 128, D), jnp.float32),
        pltpu.SemaphoreType.DMA,
        pltpu.SemaphoreType.DMA,
    ])
def _train_gather_kernel(tf_hbm, tg_hbm, ai_hbm, bi_hbm, tfo_hbm, tgo_hbm,
                         ai_v, bi_v, frows_v, grows_v, fsem, gsem):
    wid = _worker_id()
    pltpu.sync_copy(ai_hbm.at[wid], ai_v)
    pltpu.sync_copy(bi_hbm.at[wid], bi_v)
    f0 = pltpu.async_copy(tf_hbm.at[ai_v.at[0]], frows_v.at[0], fsem)
    f1 = pltpu.async_copy(tf_hbm.at[ai_v.at[1]], frows_v.at[1], fsem)
    g0 = pltpu.async_copy(tg_hbm.at[bi_v.at[0]], grows_v.at[0], gsem)
    g1 = pltpu.async_copy(tg_hbm.at[bi_v.at[1]], grows_v.at[1], gsem)
    base = wid * BPW
    f0.wait()
    pltpu.sync_copy(frows_v.at[0], tfo_hbm.at[pl.ds(base, 128)])
    f1.wait()
    pltpu.sync_copy(frows_v.at[1], tfo_hbm.at[pl.ds(base + 128, 128)])
    g0.wait()
    pltpu.sync_copy(grows_v.at[0], tgo_hbm.at[pl.ds(base, 128)])
    g1.wait()
    pltpu.sync_copy(grows_v.at[1], tgo_hbm.at[pl.ds(base + 128, 128)])


def _dis(degT_ref):
    return lax.rsqrt(degT_ref[:, 0:1] + degT_ref[:, 1:2] + 1.0)


def _tc0_body(x_ref, w1_ref, xw_ref):
    xw_ref[...] = jnp.dot(
        x_ref[...], w1_ref[...], preferred_element_type=jnp.float32)


def _tc1_body(degT_ref, xw_ref, xs_ref):
    xs_ref[...] = xw_ref[...] * _dis(degT_ref)


def _tc2_body(p_ref, xs_ref, degT_ref, w2_ref, hs_ref):
    dis = _dis(degT_ref)
    out1 = dis * (p_ref[0] + p_ref[1] - xs_ref[...])
    h = jnp.where(out1 > 0, out1, jnp.exp(out1) - 1.0)
    hs_ref[...] = jnp.dot(
        h, w2_ref[...], preferred_element_type=jnp.float32) * dis


def _leaky(v):
    return jnp.where(v > 0, v, 0.01 * v)


def _tc3_body(p_ref, hs_ref, degT_ref, fw1, fb1, fw2, fb2,
              gw1, gb1, gw2, gb2, tf_ref, tg_ref):
    dis = _dis(degT_ref)
    embed = dis * (p_ref[0] + p_ref[1] - hs_ref[...])
    t = _leaky(jnp.dot(embed, fw1[...], preferred_element_type=jnp.float32)
               + fb1[...])
    tf_ref[...] = _leaky(
        jnp.dot(t, fw2[...], preferred_element_type=jnp.float32) + fb2[...])
    g = _leaky(jnp.dot(embed, gw1[...], preferred_element_type=jnp.float32)
               + gb1[...])
    tg_ref[...] = _leaky(
        jnp.dot(g, gw2[...], preferred_element_type=jnp.float32) + gb2[...])


def _tc4_body(a_ref, b_ref, o_ref):
    o_ref[...] = jnp.sum(a_ref[...] * b_ref[...], axis=1, keepdims=True)


def _tc(body, out_shapes):
    return pl.pallas_call(body, out_shape=out_shapes)


def kernel(x, edge_index, train_sample, W1, W2,
           tf_W1, tf_b1, tf_W2, tf_b2, tg_W1, tg_b1, tg_W2, tg_b2):
    f32 = jnp.float32
    src = edge_index[0].reshape(NW, EPW)
    dst = edge_index[1].reshape(NW, NCH, CH)
    ai = train_sample[:, 0].reshape(NW, BPW // 128, 128)
    bi = train_sample[:, 1].reshape(NW, BPW // 128, 128)
    x_pad = jnp.pad(x, ((0, N_PAD - N), (0, 0)))

    deg_p = _deg_kernel(dst)
    degT = deg_p.T

    xw = _tc(_tc0_body, jax.ShapeDtypeStruct((N_PAD, D), f32))(x_pad, W1)
    xs = _tc(_tc1_body, jax.ShapeDtypeStruct((N_PAD, D), f32))(degT, xw)
    p1 = _scatter_kernel(xs, src, dst)
    hs = _tc(_tc2_body, jax.ShapeDtypeStruct((N_PAD, D), f32))(
        p1, xs, degT, W2)
    p2 = _scatter_kernel(hs, src, dst)
    pad_w = ((0, 0), (0, D - 32))
    tf_full, tg_full = _tc(_tc3_body, [
        jax.ShapeDtypeStruct((N_PAD, D), f32),
        jax.ShapeDtypeStruct((N_PAD, D), f32)])(
            p2, hs, degT,
            tf_W1, tf_b1.reshape(1, -1),
            jnp.pad(tf_W2, pad_w), jnp.pad(tf_b2.reshape(1, -1), pad_w),
            tg_W1, tg_b1.reshape(1, -1),
            jnp.pad(tg_W2, pad_w), jnp.pad(tg_b2.reshape(1, -1), pad_w))
    ta, tb = _train_gather_kernel(tf_full, tg_full, ai, bi)
    pred = _tc(_tc4_body, jax.ShapeDtypeStruct((B, 1), f32))(ta, tb)
    return pred

# --- scband reference (transcript-rebuilt; emitter-appended) ---
"""Pipeline reference for scband-gnnlayer-27101243638465 (READ-ONLY COPY).

The authoritative reference and input builder live on the scoring server;
editing this copy changes nothing except your own understanding.
"""

import jax, jax.numpy as jnp
import numpy as np

N = 10000
E = 320000
D_IN = 128
H1 = 128
H2 = 128
H3 = 64
OUT = 32
B = 8192


def _glorot(key, fan_in, fan_out, gain=1.0):
    lim = gain * np.sqrt(6.0 / (fan_in + fan_out))
    return jax.random.uniform(key, (fan_in, fan_out), dtype=jnp.float32, minval=-lim, maxval=lim)


def setup_inputs(seed: int = 0):
    key = jax.random.key(seed)
    ks = jax.random.split(key, 13)
    x = jax.random.normal(ks[0], (N, D_IN), dtype=jnp.float32)
    edge_index = jax.random.randint(ks[1], (2, E), 0, N, dtype=jnp.int32)
    train_sample = jax.random.randint(ks[2], (B, 2), 0, N, dtype=jnp.int32)
    g = 1.414
    return {
        'x': x,
        'edge_index': edge_index,
        'train_sample': train_sample,
        'W1': _glorot(ks[3], D_IN, H1),
        'W2': _glorot(ks[4], H1, H2),
        'tf_W1': _glorot(ks[5], H2, H3, g),
        'tf_b1': jnp.zeros((H3,), dtype=jnp.float32),
        'tf_W2': _glorot(ks[6], H3, OUT, g),
        'tf_b2': jnp.zeros((OUT,), dtype=jnp.float32),
        'tg_W1': _glorot(ks[7], H2, H3, g),
        'tg_b1': jnp.zeros((H3,), dtype=jnp.float32),
        'tg_W2': _glorot(ks[8], H3, OUT, g),
        'tg_b2': jnp.zeros((OUT,), dtype=jnp.float32),
    }


def _gcn_conv(x, src, dst, W, n_nodes):
    # GCNConv (bias=False): add self-loops, symmetric normalization, then scatter-add aggregation
    loop = jnp.arange(n_nodes, dtype=src.dtype)
    s = jnp.concatenate([src, loop])
    d = jnp.concatenate([dst, loop])
    ew = jnp.ones(s.shape[0], dtype=x.dtype)
    deg = jnp.zeros((n_nodes,), dtype=x.dtype).at[d].add(ew)
    dis = jnp.where(deg > 0, jax.lax.rsqrt(jnp.maximum(deg, 1e-12)), 0.0)
    norm = dis[s] * dis[d]
    xw = x @ W
    msg = xw[s] * norm[:, None]
    out = jnp.zeros((n_nodes, W.shape[1]), dtype=x.dtype).at[d].add(msg)
    return out


def _leaky(v):
    return jnp.where(v > 0, v, 0.01 * v)


def reference(x, edge_index, train_sample, W1, W2, tf_W1, tf_b1, tf_W2, tf_b2, tg_W1, tg_b1, tg_W2, tg_b2):
    src, dst = edge_index[0], edge_index[1]
    h = jax.nn.elu(_gcn_conv(x, src, dst, W1, N))
    embed = _gcn_conv(h, src, dst, W2, N)
    # dropout p=0.01 treated as identity (deterministic eval)
    tf = _leaky(embed @ tf_W1 + tf_b1)
    tf = _leaky(tf @ tf_W2 + tf_b2)
    tg = _leaky(embed @ tg_W1 + tg_b1)
    tg = _leaky(tg @ tg_W2 + tg_b2)
    train_tf = tf[train_sample[:, 0]]
    train_tg = tg[train_sample[:, 1]]
    pred = jnp.sum(train_tf * train_tg, axis=1).reshape(-1, 1)
    return pred

if __name__ == "__main__":
    import jax
    _d = setup_inputs()
    print(jax.jit(kernel)(*tuple(_d.values())))

</pallas_src>

<mosaic_0001>
#map = affine_map<(d0, d1) -> (0, 0, 0)>
#map1 = affine_map<(d0, d1) -> (0, 0)>
module attributes {stable_mosaic.version = 14 : i64} {
  func.func @_deg_kernel(%arg0: i32, %arg1: i32, %arg2: memref<32x125x80xi32, #tpu.memory_space<hbm>>, %arg3: memref<2x10240xf32, #tpu.memory_space<hbm>>, %arg4: memref<125x80xi32, #tpu.memory_space<vmem>>, %arg5: memref<80xf32, #tpu.memory_space<vmem>>, %arg6: memref<640xf32, #tpu.memory_space<vmem>>, %arg7: memref<!tpu.dma_semaphore, #tpu.memory_space<semaphore_mem>>, %arg8: memref<10240xf32, #tpu.memory_space<vmem_shared>>) attributes {dimension_semantics = [#tpu.dimension_semantics<core_parallel>, #tpu.dimension_semantics<subcore_parallel>], iteration_bounds = array<i64: 2, 16>, scalar_prefetch = 0 : i64, scratch_operands = 5 : i64, tpu.core_type = #tpu.core_type<sc_vector_subcore>, window_params = [{transform_indices = #map}, {transform_indices = #map1}]} {
    %mul3A = arith.constant 2 : i32
    %mul3A_0 = arith.muli %arg1, %mul3A : i32
    %add3A = arith.addi %mul3A_0, %arg0 : i32
    "tpu.region"() ({
      %run_scoped3A = tpu.sem_alloc : memref<!tpu.dma_semaphore, #tpu.memory_space<semaphore_mem>>
      %dma_start3A = arith.constant 0 : i32
      %dma_start3A_70 = arith.constant 0 : i32
      %dma_start3A_71 = tpu.memref_slice %arg2[%add3A, %dma_start3A, %dma_start3A_70] : memref<32x125x80xi32, #tpu.memory_space<hbm>> -> memref<1x125x80xi32, #tpu.memory_space<hbm>>
      %dma_start3A_72 = tpu.memref_squeeze %dma_start3A_71 : memref<1x125x80xi32, #tpu.memory_space<hbm>> -> memref<125x80xi32, #tpu.memory_space<hbm>>
      %dma_start3A_73 = arith.constant 0 : i32
      %dma_start3A_74 = arith.constant 0 : i32
      %dma_start3A_75 = tpu.memref_slice %arg2[%add3A, %dma_start3A_73, %dma_start3A_74] : memref<32x125x80xi32, #tpu.memory_space<hbm>> -> memref<1x125x80xi32, #tpu.memory_space<hbm>>
      %dma_start3A_76 = tpu.memref_squeeze %dma_start3A_75 : memref<1x125x80xi32, #tpu.memory_space<hbm>> -> memref<125x80xi32, #tpu.memory_space<hbm>>
      tpu.enqueue_dma source(%dma_start3A_76 : memref<125x80xi32, #tpu.memory_space<hbm>>) target(%arg4 : memref<125x80xi32, #tpu.memory_space<vmem>>) target_semaphore(%run_scoped3A : memref<!tpu.dma_semaphore, #tpu.memory_space<semaphore_mem>>)
      %dma_wait3A_77 = arith.constant 0 : i32
      %dma_wait3A_78 = arith.constant 0 : i32
      %dma_wait3A_79 = tpu.memref_slice %arg2[%add3A, %dma_wait3A_77, %dma_wait3A_78] : memref<32x125x80xi32, #tpu.memory_space<hbm>> -> memref<1x125x80xi32, #tpu.memory_space<hbm>>
      %dma_wait3A_80 = tpu.memref_squeeze %dma_wait3A_79 : memref<1x125x80xi32, #tpu.memory_space<hbm>> -> memref<125x80xi32, #tpu.memory_space<hbm>>
      %dma_wait3A_81 = arith.constant 0 : i32
      %dma_wait3A_82 = arith.constant 0 : i32
      %dma_wait3A_83 = tpu.memref_slice %arg2[%add3A, %dma_wait3A_81, %dma_wait3A_82] : memref<32x125x80xi32, #tpu.memory_space<hbm>> -> memref<1x125x80xi32, #tpu.memory_space<hbm>>
      %dma_wait3A_84 = tpu.memref_squeeze %dma_wait3A_83 : memref<1x125x80xi32, #tpu.memory_space<hbm>> -> memref<125x80xi32, #tpu.memory_space<hbm>>
      tpu.wait_dma2 semaphore(%run_scoped3A : memref<!tpu.dma_semaphore, #tpu.memory_space<semaphore_mem>>) src(%dma_wait3A_84 : memref<125x80xi32, #tpu.memory_space<hbm>>) dst(%arg4 : memref<125x80xi32, #tpu.memory_space<vmem>>)
      tpu.yield
    }) : () -> ()
    %broadcast_in_dim3A = arith.constant 1.000000e+00 : f32
    %broadcast_in_dim3A_1 = vector.broadcast %broadcast_in_dim3A : f32 to vector<16xf32>
    %swap3A = arith.constant 0 : index
    %swap3A_2 = tpu.vector_load %arg5[%swap3A] {strides = array<i32>} : memref<80xf32, #tpu.memory_space<vmem>>, vector<16xf32>,
    %swap3A_3 = vector.shape_cast %swap3A_2 : vector<16xf32> to vector<16xf32>
    %swap3A_4 = vector.shape_cast %broadcast_in_dim3A_1 : vector<16xf32> to vector<16xf32>
    tpu.vector_store %arg5[%swap3A], %swap3A_4 {strides = array<i32>} : memref<80xf32, #tpu.memory_space<vmem>>, vector<16xf32>,
    %broadcast_in_dim3A_5 = arith.constant 1.000000e+00 : f32
    %broadcast_in_dim3A_6 = vector.broadcast %broadcast_in_dim3A_5 : f32 to vector<16xf32>
    %swap3A_7 = arith.constant 16 : index
    %swap3A_8 = tpu.vector_load %arg5[%swap3A_7] {strides = array<i32>} : memref<80xf32, #tpu.memory_space<vmem>>, vector<16xf32>,
    %swap3A_9 = vector.shape_cast %swap3A_8 : vector<16xf32> to vector<16xf32>
    %swap3A_10 = vector.shape_cast %broadcast_in_dim3A_6 : vector<16xf32> to vector<16xf32>
    tpu.vector_store %arg5[%swap3A_7], %swap3A_10 {strides = array<i32>} : memref<80xf32, #tpu.memory_space<vmem>>, vector<16xf32>,
    %broadcast_in_dim3A_11 = arith.constant 1.000000e+00 : f32
    %broadcast_in_dim3A_12 = vector.broadcast %broadcast_in_dim3A_11 : f32 to vector<16xf32>
    %swap3A_13 = arith.constant 32 : index
    %swap3A_14 = tpu.vector_load %arg5[%swap3A_13] {strides = array<i32>} : memref<80xf32, #tpu.memory_space<vmem>>, vector<16xf32>,
    %swap3A_15 = vector.shape_cast %swap3A_14 : vector<16xf32> to vector<16xf32>
    %swap3A_16 = vector.shape_cast %broadcast_in_dim3A_12 : vector<16xf32> to vector<16xf32>
    tpu.vector_store %arg5[%swap3A_13], %swap3A_16 {strides = array<i32>} : memref<80xf32, #tpu.memory_space<vmem>>, vector<16xf32>,
    %broadcast_in_dim3A_17 = arith.constant 1.000000e+00 : f32
    %broadcast_in_dim3A_18 = vector.broadcast %broadcast_in_dim3A_17 : f32 to vector<16xf32>
    %swap3A_19 = arith.constant 48 : index
    %swap3A_20 = tpu.vector_load %arg5[%swap3A_19] {strides = array<i32>} : memref<80xf32, #tpu.memory_space<vmem>>, vector<16xf32>,
    %swap3A_21 = vector.shape_cast %swap3A_20 : vector<16xf32> to vector<16xf32>
    %swap3A_22 = vector.shape_cast %broadcast_in_dim3A_18 : vector<16xf32> to vector<16xf32>
    tpu.vector_store %arg5[%swap3A_19], %swap3A_22 {strides = array<i32>} : memref<80xf32, #tpu.memory_space<vmem>>, vector<16xf32>,
    %broadcast_in_dim3A_23 = arith.constant 1.000000e+00 : f32
    %broadcast_in_dim3A_24 = vector.broadcast %broadcast_in_dim3A_23 : f32 to vector<16xf32>
    %swap3A_25 = arith.constant 64 : index
    %swap3A_26 = tpu.vector_load %arg5[%swap3A_25] {strides = array<i32>} : memref<80xf32, #tpu.memory_space<vmem>>, vector<16xf32>,
    %swap3A_27 = vector.shape_cast %swap3A_26 : vector<16xf32> to vector<16xf32>
    %swap3A_28 = vector.shape_cast %broadcast_in_dim3A_24 : vector<16xf32> to vector<16xf32>
    tpu.vector_store %arg5[%swap3A_25], %swap3A_28 {strides = array<i32>} : memref<80xf32, #tpu.memory_space<vmem>>, vector<16xf32>,
    %scan3A = arith.constant 0 : i32
    %scan3A_29 = arith.constant 0 : i32
    %scan3A_30 = arith.constant 40 : i32
    %scan3A_31 = arith.addi %scan3A_29, %scan3A_30 : i32
    %scan3A_32 = arith.constant 1 : i32
    scf.for %scan3A_70 = %scan3A_29 to %scan3A_31 step %scan3A_32  : i32 {
      %broadcast_in_dim3A_71 = arith.constant 0.000000e+00 : f32
      %broadcast_in_dim3A_72 = vector.broadcast %broadcast_in_dim3A_71 : f32 to vector<16xf32>
      %mul3A_73 = arith.constant 16 : i32
      %mul3A_74 = arith.muli %scan3A_70, %mul3A_73 : i32
      %swap3A_75 = arith.index_cast %mul3A_74 : i32 to index
      %swap3A_76 = tpu.vector_load %arg6[%swap3A_75] {strides = array<i32>} : memref<640xf32, #tpu.memory_space<vmem>>, vector<16xf32>,
      %swap3A_77 = vector.shape_cast %swap3A_76 : vector<16xf32> to vector<16xf32>
      %swap3A_78 = vector.shape_cast %broadcast_in_dim3A_72 : vector<16xf32> to vector<16xf32>
      tpu.vector_store %arg6[%swap3A_75], %swap3A_78 {strides = array<i32>} : memref<640xf32, #tpu.memory_space<vmem>>, vector<16xf32>,
    }
    %scan3A_33 = arith.constant 40 : i32
    %mul3A_34 = arith.constant 640 : i32
    %mul3A_35 = arith.muli %arg1, %mul3A_34 : i32
    "tpu.region"() ({
      %run_scoped3A = tpu.sem_alloc : memref<!tpu.dma_semaphore, #tpu.memory_space<semaphore_mem>>
      %dma_start3A = tpu.memref_slice %arg8[%mul3A_35] : memref<10240xf32, #tpu.memory_space<vmem_shared>> -> memref<640xf32, #tpu.memory_space<vmem_shared>>
      %dma_start3A_70 = tpu.memref_slice %arg8[%mul3A_35] : memref<10240xf32, #tpu.memory_space<vmem_shared>> -> memref<640xf32, #tpu.memory_space<vmem_shared>>
      tpu.enqueue_dma source(%arg6 : memref<640xf32, #tpu.memory_space<vmem>>) target(%dma_start3A_70 : memref<640xf32, #tpu.memory_space<vmem_shared>>) target_semaphore(%run_scoped3A : memref<!tpu.dma_semaphore, #tpu.memory_space<semaphore_mem>>)
      %dma_wait3A_71 = tpu.memref_slice %arg8[%mul3A_35] : memref<10240xf32, #tpu.memory_space<vmem_shared>> -> memref<640xf32, #tpu.memory_space<vmem_shared>>
      %dma_wait3A_72 = tpu.memref_slice %arg8[%mul3A_35] : memref<10240xf32, #tpu.memory_space<vmem_shared>> -> memref<640xf32, #tpu.memory_space<vmem_shared>>
      tpu.wait_dma2 semaphore(%run_scoped3A : memref<!tpu.dma_semaphore, #tpu.memory_space<semaphore_mem>>) src(%arg6 : memref<640xf32, #tpu.memory_space<vmem>>) dst(%dma_wait3A_72 : memref<640xf32, #tpu.memory_space<vmem_shared>>)
      tpu.yield
    }) : () -> ()
    %barrier3A = arith.constant 0 : index
    tpu.barrier barrier_id(%barrier3A)
    %scan3A_36 = arith.constant 0 : i32
    %scan3A_37 = arith.constant 0 : i32
    %scan3A_38 = arith.constant 125 : i32
    %scan3A_39 = arith.addi %scan3A_37, %scan3A_38 : i32
    %scan3A_40 = arith.constant 1 : i32
    scf.for %scan3A_70 = %scan3A_37 to %scan3A_39 step %scan3A_40  : i32 {
      %dma_start3A = arith.constant 0 : i32
      %dma_start3A_71 = tpu.memref_slice %arg4[%scan3A_70, %dma_start3A] : memref<125x80xi32, #tpu.memory_space<vmem>> -> memref<1x80xi32, #tpu.memory_space<vmem>>
      %dma_start3A_72 = tpu.memref_squeeze %dma_start3A_71 : memref<1x80xi32, #tpu.memory_space<vmem>> -> memref<80xi32, #tpu.memory_space<vmem>>
      %dma_start3A_73 = arith.constant 0 : i32
      %dma_start3A_74 = tpu.memref_slice %arg8[%dma_start3A_73] : memref<10240xf32, #tpu.memory_space<vmem_shared>> -> memref<10240xf32, #tpu.memory_space<vmem_shared>>
      tpu.enqueue_indirect_dma source(%arg5 : memref<80xf32, #tpu.memory_space<vmem>>) target(%dma_start3A_74 : memref<10240xf32, #tpu.memory_space<vmem_shared>>) offsets(%dma_start3A_72 : memref<80xi32, #tpu.memory_space<vmem>>) semaphore(%arg7 : memref<!tpu.dma_semaphore, #tpu.memory_space<semaphore_mem>>) {add = true}
      %ge3A = arith.constant 4 : i32
      %ge3A_75 = arith.cmpi sge, %scan3A_70, %ge3A : i32
      %convert_element_type3A = arith.extui %ge3A_75 : i1 to i32
      %cond3A = arith.constant 0 : i32
      %cond3A_76 = arith.cmpi ne, %convert_element_type3A, %cond3A : i32
      scf.if %cond3A_76 {
        %dma_wait3A_77 = arith.constant 0 : i32
        %dma_wait3A_78 = arith.constant 0 : i32
        %dma_wait3A_79 = tpu.memref_slice %arg4[%dma_wait3A_77, %dma_wait3A_78] : memref<125x80xi32, #tpu.memory_space<vmem>> -> memref<1x80xi32, #tpu.memory_space<vmem>>
        %dma_wait3A_80 = tpu.memref_squeeze %dma_wait3A_79 : memref<1x80xi32, #tpu.memory_space<vmem>> -> memref<80xi32, #tpu.memory_space<vmem>>
        %dma_wait3A_81 = arith.constant 0 : i32
        %dma_wait3A_82 = tpu.memref_slice %arg8[%dma_wait3A_81] : memref<10240xf32, #tpu.memory_space<vmem_shared>> -> memref<10240xf32, #tpu.memory_space<vmem_shared>>
        tpu.wait_indirect_dma semaphore(%arg7 : memref<!tpu.dma_semaphore, #tpu.memory_space<semaphore_mem>>) src(%arg5 : memref<80xf32, #tpu.memory_space<vmem>>) dst(%dma_wait3A_82 : memref<10240xf32, #tpu.memory_space<vmem_shared>>)
      } else {
      }
    }
    %scan3A_41 = arith.constant 125 : i32
    %dma_wait3A = arith.constant 0 : i32
    %dma_wait3A_42 = arith.constant 0 : i32
    %dma_wait3A_43 = tpu.memref_slice %arg4[%dma_wait3A, %dma_wait3A_42] : memref<125x80xi32, #tpu.memory_space<vmem>> -> memref<1x80xi32, #tpu.memory_space<vmem>>
    %dma_wait3A_44 = tpu.memref_squeeze %dma_wait3A_43 : memref<1x80xi32, #tpu.memory_space<vmem>> -> memref<80xi32, #tpu.memory_space<vmem>>
    %dma_wait3A_45 = arith.constant 0 : i32
    %dma_wait3A_46 = tpu.memref_slice %arg8[%dma_wait3A_45] : memref<10240xf32, #tpu.memory_space<vmem_shared>> -> memref<10240xf32, #tpu.memory_space<vmem_shared>>
    tpu.wait_indirect_dma semaphore(%arg7 : memref<!tpu.dma_semaphore, #tpu.memory_space<semaphore_mem>>) src(%arg5 : memref<80xf32, #tpu.memory_space<vmem>>) dst(%dma_wait3A_46 : memref<10240xf32, #tpu.memory_space<vmem_shared>>)
    %dma_wait3A_47 = arith.constant 0 : i32
    %dma_wait3A_48 = arith.constant 0 : i32
    %dma_wait3A_49 = tpu.memref_slice %arg4[%dma_wait3A_47, %dma_wait3A_48] : memref<125x80xi32, #tpu.memory_space<vmem>> -> memref<1x80xi32, #tpu.memory_space<vmem>>
    %dma_wait3A_50 = tpu.memref_squeeze %dma_wait3A_49 : memref<1x80xi32, #tpu.memory_space<vmem>> -> memref<80xi32, #tpu.memory_space<vmem>>
    %dma_wait3A_51 = arith.constant 0 : i32
    %dma_wait3A_52 = tpu.memref_slice %arg8[%dma_wait3A_51] : memref<10240xf32, #tpu.memory_space<vmem_shared>> -> memref<10240xf32, #tpu.memory_space<vmem_shared>>
    tpu.wait_indirect_dma semaphore(%arg7 : memref<!tpu.dma_semaphore, #tpu.memory_space<semaphore_mem>>) src(%arg5 : memref<80xf32, #tpu.memory_space<vmem>>) dst(%dma_wait3A_52 : memref<10240xf32, #tpu.memory_space<vmem_shared>>)
    %dma_wait3A_53 = arith.constant 0 : i32
    %dma_wait3A_54 = arith.constant 0 : i32
    %dma_wait3A_55 = tpu.memref_slice %arg4[%dma_wait3A_53, %dma_wait3A_54] : memref<125x80xi32, #tpu.memory_space<vmem>> -> memref<1x80xi32, #tpu.memory_space<vmem>>
    %dma_wait3A_56 = tpu.memref_squeeze %dma_wait3A_55 : memref<1x80xi32, #tpu.memory_space<vmem>> -> memref<80xi32, #tpu.memory_space<vmem>>
    %dma_wait3A_57 = arith.constant 0 : i32
    %dma_wait3A_58 = tpu.memref_slice %arg8[%dma_wait3A_57] : memref<10240xf32, #tpu.memory_space<vmem_shared>> -> memref<10240xf32, #tpu.memory_space<vmem_shared>>
    tpu.wait_indirect_dma semaphore(%arg7 : memref<!tpu.dma_semaphore, #tpu.memory_space<semaphore_mem>>) src(%arg5 : memref<80xf32, #tpu.memory_space<vmem>>) dst(%dma_wait3A_58 : memref<10240xf32, #tpu.memory_space<vmem_shared>>)
    %dma_wait3A_59 = arith.constant 0 : i32
    %dma_wait3A_60 = arith.constant 0 : i32
    %dma_wait3A_61 = tpu.memref_slice %arg4[%dma_wait3A_59, %dma_wait3A_60] : memref<125x80xi32, #tpu.memory_space<vmem>> -> memref<1x80xi32, #tpu.memory_space<vmem>>
    %dma_wait3A_62 = tpu.memref_squeeze %dma_wait3A_61 : memref<1x80xi32, #tpu.memory_space<vmem>> -> memref<80xi32, #tpu.memory_space<vmem>>
    %dma_wait3A_63 = arith.constant 0 : i32
    %dma_wait3A_64 = tpu.memref_slice %arg8[%dma_wait3A_63] : memref<10240xf32, #tpu.memory_space<vmem_shared>> -> memref<10240xf32, #tpu.memory_space<vmem_shared>>
    tpu.wait_indirect_dma semaphore(%arg7 : memref<!tpu.dma_semaphore, #tpu.memory_space<semaphore_mem>>) src(%arg5 : memref<80xf32, #tpu.memory_space<vmem>>) dst(%dma_wait3A_64 : memref<10240xf32, #tpu.memory_space<vmem_shared>>)
    %barrier3A_65 = arith.constant 0 : index
    tpu.barrier barrier_id(%barrier3A_65)
    %mul3A_66 = arith.constant 640 : i32
    %mul3A_67 = arith.muli %arg1, %mul3A_66 : i32
    %mul3A_68 = arith.constant 640 : i32
    %mul3A_69 = arith.muli %arg1, %mul3A_68 : i32
    "tpu.region"() ({
      %run_scoped3A = tpu.sem_alloc : memref<!tpu.dma_semaphore, #tpu.memory_space<semaphore_mem>>
      %dma_start3A = tpu.memref_slice %arg3[%arg0, %mul3A_69] : memref<2x10240xf32, #tpu.memory_space<hbm>> -> memref<1x640xf32, #tpu.memory_space<hbm>>
      %dma_start3A_70 = tpu.memref_squeeze %dma_start3A : memref<1x640xf32, #tpu.memory_space<hbm>> -> memref<640xf32, #tpu.memory_space<hbm>>
      %dma_start3A_71 = tpu.memref_slice %arg8[%mul3A_67] : memref<10240xf32, #tpu.memory_space<vmem_shared>> -> memref<640xf32, #tpu.memory_space<vmem_shared>>
      tpu.enqueue_dma source(%dma_start3A_71 : memref<640xf32, #tpu.memory_space<vmem_shared>>) target(%dma_start3A_70 : memref<640xf32, #tpu.memory_space<hbm>>) target_semaphore(%run_scoped3A : memref<!tpu.dma_semaphore, #tpu.memory_space<semaphore_mem>>)
      %dma_wait3A_72 = tpu.memref_slice %arg3[%arg0, %mul3A_69] : memref<2x10240xf32, #tpu.memory_space<hbm>> -> memref<1x640xf32, #tpu.memory_space<hbm>>
      %dma_wait3A_73 = tpu.memref_squeeze %dma_wait3A_72 : memref<1x640xf32, #tpu.memory_space<hbm>> -> memref<640xf32, #tpu.memory_space<hbm>>
      %dma_wait3A_74 = tpu.memref_slice %arg8[%mul3A_67] : memref<10240xf32, #tpu.memory_space<vmem_shared>> -> memref<640xf32, #tpu.memory_space<vmem_shared>>
      tpu.wait_dma2 semaphore(%run_scoped3A : memref<!tpu.dma_semaphore, #tpu.memory_space<semaphore_mem>>) src(%dma_wait3A_74 : memref<640xf32, #tpu.memory_space<vmem_shared>>) dst(%dma_wait3A_73 : memref<640xf32, #tpu.memory_space<hbm>>)
      tpu.yield
    }) : () -> ()
    return
  }
}

#map = affine_map<(d0, d1) -> (0, 0)>
#map1 = affine_map<(d0, d1) -> (0, 0, 0)>
module attributes {stable_mosaic.version = 14 : i64} {
  func.func @_train_gather_kernel(%arg0: i32, %arg1: i32, %arg2: memref<10240x128xf32, #tpu.memory_space<hbm>>, %arg3: memref<10240x128xf32, #tpu.memory_space<hbm>>, %arg4: memref<32x2x128xi32, #tpu.memory_space<hbm>>, %arg5: memref<32x2x128xi32, #tpu.memory_space<hbm>>, %arg6: memref<8192x128xf32, #tpu.memory_space<hbm>>, %arg7: memref<8192x128xf32, #tpu.memory_space<hbm>>, %arg8: memref<2x128xi32, #tpu.memory_space<vmem>>, %arg9: memref<2x128xi32, #tpu.memory_space<vmem>>, %arg10: memref<2x128x128xf32, #tpu.memory_space<vmem>>, %arg11: memref<2x128x128xf32, #tpu.memory_space<vmem>>, %arg12: memref<!tpu.dma_semaphore, #tpu.memory_space<semaphore_mem>>, %arg13: memref<!tpu.dma_semaphore, #tpu.memory_space<semaphore_mem>>) attributes {dimension_semantics = [#tpu.dimension_semantics<core_parallel>, #tpu.dimension_semantics<subcore_parallel>], iteration_bounds = array<i64: 2, 16>, scalar_prefetch = 0 : i64, scratch_operands = 6 : i64, tpu.core_type = #tpu.core_type<sc_vector_subcore>, window_params = [{transform_indices = #map}, {transform_indices = #map}, {transform_indices = #map1}, {transform_indices = #map1}, {transform_indices = #map}, {transform_indices = #map}]} {
    %mul3A = arith.constant 2 : i32
    %mul3A_0 = arith.muli %arg1, %mul3A : i32
    %add3A = arith.addi %mul3A_0, %arg0 : i32
    "tpu.region"() ({
      %run_scoped3A_104 = tpu.sem_alloc : memref<!tpu.dma_semaphore, #tpu.memory_space<semaphore_mem>>
      %dma_start3A_105 = arith.constant 0 : i32
      %dma_start3A_106 = arith.constant 0 : i32
      %dma_start3A_107 = tpu.memref_slice %arg4[%add3A, %dma_start3A_105, %dma_start3A_106] : memref<32x2x128xi32, #tpu.memory_space<hbm>> -> memref<1x2x128xi32, #tpu.memory_space<hbm>>
      %dma_start3A_108 = tpu.memref_squeeze %dma_start3A_107 : memref<1x2x128xi32, #tpu.memory_space<hbm>> -> memref<2x128xi32, #tpu.memory_space<hbm>>
      %dma_start3A_109 = arith.constant 0 : i32
      %dma_start3A_110 = arith.constant 0 : i32
      %dma_start3A_111 = tpu.memref_slice %arg4[%add3A, %dma_start3A_109, %dma_start3A_110] : memref<32x2x128xi32, #tpu.memory_space<hbm>> -> memref<1x2x128xi32, #tpu.memory_space<hbm>>
      %dma_start3A_112 = tpu.memref_squeeze %dma_start3A_111 : memref<1x2x128xi32, #tpu.memory_space<hbm>> -> memref<2x128xi32, #tpu.memory_space<hbm>>
      tpu.enqueue_dma source(%dma_start3A_112 : memref<2x128xi32, #tpu.memory_space<hbm>>) target(%arg8 : memref<2x128xi32, #tpu.memory_space<vmem>>) target_semaphore(%run_scoped3A_104 : memref<!tpu.dma_semaphore, #tpu.memory_space<semaphore_mem>>)
      %dma_wait3A_113 = arith.constant 0 : i32
      %dma_wait3A_114 = arith.constant 0 : i32
      %dma_wait3A_115 = tpu.memref_slice %arg4[%add3A, %dma_wait3A_113, %dma_wait3A_114] : memref<32x2x128xi32, #tpu.memory_space<hbm>> -> memref<1x2x128xi32, #tpu.memory_space<hbm>>
      %dma_wait3A_116 = tpu.memref_squeeze %dma_wait3A_115 : memref<1x2x128xi32, #tpu.memory_space<hbm>> -> memref<2x128xi32, #tpu.memory_space<hbm>>
      %dma_wait3A_117 = arith.constant 0 : i32
      %dma_wait3A_118 = arith.constant 0 : i32
      %dma_wait3A_119 = tpu.memref_slice %arg4[%add3A, %dma_wait3A_117, %dma_wait3A_118] : memref<32x2x128xi32, #tpu.memory_space<hbm>> -> memref<1x2x128xi32, #tpu.memory_space<hbm>>
      %dma_wait3A_120 = tpu.memref_squeeze %dma_wait3A_119 : memref<1x2x128xi32, #tpu.memory_space<hbm>> -> memref<2x128xi32, #tpu.memory_space<hbm>>
      tpu.wait_dma2 semaphore(%run_scoped3A_104 : memref<!tpu.dma_semaphore, #tpu.memory_space<semaphore_mem>>) src(%dma_wait3A_120 : memref<2x128xi32, #tpu.memory_space<hbm>>) dst(%arg8 : memref<2x128xi32, #tpu.memory_space<vmem>>)
      tpu.yield
    }) : () -> ()
    "tpu.region"() ({
      %run_scoped3A_104 = tpu.sem_alloc : memref<!tpu.dma_semaphore, #tpu.memory_space<semaphore_mem>>
      %dma_start3A_105 = arith.constant 0 : i32
      %dma_start3A_106 = arith.constant 0 : i32
      %dma_start3A_107 = tpu.memref_slice %arg5[%add3A, %dma_start3A_105, %dma_start3A_106] : memref<32x2x128xi32, #tpu.memory_space<hbm>> -> memref<1x2x128xi32, #tpu.memory_space<hbm>>
      %dma_start3A_108 = tpu.memref_squeeze %dma_start3A_107 : memref<1x2x128xi32, #tpu.memory_space<hbm>> -> memref<2x128xi32, #tpu.memory_space<hbm>>
      %dma_start3A_109 = arith.constant 0 : i32
      %dma_start3A_110 = arith.constant 0 : i32
      %dma_start3A_111 = tpu.memref_slice %arg5[%add3A, %dma_start3A_109, %dma_start3A_110] : memref<32x2x128xi32, #tpu.memory_space<hbm>> -> memref<1x2x128xi32, #tpu.memory_space<hbm>>
      %dma_start3A_112 = tpu.memref_squeeze %dma_start3A_111 : memref<1x2x128xi32, #tpu.memory_space<hbm>> -> memref<2x128xi32, #tpu.memory_space<hbm>>
      tpu.enqueue_dma source(%dma_start3A_112 : memref<2x128xi32, #tpu.memory_space<hbm>>) target(%arg9 : memref<2x128xi32, #tpu.memory_space<vmem>>) target_semaphore(%run_scoped3A_104 : memref<!tpu.dma_semaphore, #tpu.memory_space<semaphore_mem>>)
      %dma_wait3A_113 = arith.constant 0 : i32
      %dma_wait3A_114 = arith.constant 0 : i32
      %dma_wait3A_115 = tpu.memref_slice %arg5[%add3A, %dma_wait3A_113, %dma_wait3A_114] : memref<32x2x128xi32, #tpu.memory_space<hbm>> -> memref<1x2x128xi32, #tpu.memory_space<hbm>>
      %dma_wait3A_116 = tpu.memref_squeeze %dma_wait3A_115 : memref<1x2x128xi32, #tpu.memory_space<hbm>> -> memref<2x128xi32, #tpu.memory_space<hbm>>
      %dma_wait3A_117 = arith.constant 0 : i32
      %dma_wait3A_118 = arith.constant 0 : i32
      %dma_wait3A_119 = tpu.memref_slice %arg5[%add3A, %dma_wait3A_117, %dma_wait3A_118] : memref<32x2x128xi32, #tpu.memory_space<hbm>> -> memref<1x2x128xi32, #tpu.memory_space<hbm>>
      %dma_wait3A_120 = tpu.memref_squeeze %dma_wait3A_119 : memref<1x2x128xi32, #tpu.memory_space<hbm>> -> memref<2x128xi32, #tpu.memory_space<hbm>>
      tpu.wait_dma2 semaphore(%run_scoped3A_104 : memref<!tpu.dma_semaphore, #tpu.memory_space<semaphore_mem>>) src(%dma_wait3A_120 : memref<2x128xi32, #tpu.memory_space<hbm>>) dst(%arg9 : memref<2x128xi32, #tpu.memory_space<vmem>>)
      tpu.yield
    }) : () -> ()
    %dma_start3A = arith.constant 0 : i32
    %dma_start3A_1 = arith.constant 0 : i32
    %dma_start3A_2 = arith.constant 0 : i32
    %dma_start3A_3 = arith.constant 0 : i32
    %dma_start3A_4 = tpu.memref_slice %arg10[%dma_start3A_1, %dma_start3A_2, %dma_start3A_3] : memref<2x128x128xf32, #tpu.memory_space<vmem>> -> memref<1x128x128xf32, #tpu.memory_space<vmem>>
    %dma_start3A_5 = tpu.memref_squeeze %dma_start3A_4 : memref<1x128x128xf32, #tpu.memory_space<vmem>> -> memref<128x128xf32, #tpu.memory_space<vmem>>
    %dma_start3A_6 = arith.constant 0 : i32
    %dma_start3A_7 = tpu.memref_slice %arg8[%dma_start3A, %dma_start3A_6] : memref<2x128xi32, #tpu.memory_space<vmem>> -> memref<1x128xi32, #tpu.memory_space<vmem>>
    %dma_start3A_8 = tpu.memref_squeeze %dma_start3A_7 : memref<1x128xi32, #tpu.memory_space<vmem>> -> memref<128xi32, #tpu.memory_space<vmem>>
    %dma_start3A_9 = arith.constant 0 : i32
    %dma_start3A_10 = arith.constant 0 : i32
    %dma_start3A_11 = tpu.memref_slice %arg2[%dma_start3A_9, %dma_start3A_10] : memref<10240x128xf32, #tpu.memory_space<hbm>> -> memref<10240x128xf32, #tpu.memory_space<hbm>>
    tpu.enqueue_indirect_dma source(%dma_start3A_11 : memref<10240x128xf32, #tpu.memory_space<hbm>>) target(%dma_start3A_5 : memref<128x128xf32, #tpu.memory_space<vmem>>) offsets(%dma_start3A_8 : memref<128xi32, #tpu.memory_space<vmem>>) semaphore(%arg12 : memref<!tpu.dma_semaphore, #tpu.memory_space<semaphore_mem>>)
    %dma_start3A_12 = arith.constant 1 : i32
    %dma_start3A_13 = arith.constant 1 : i32
    %dma_start3A_14 = arith.constant 0 : i32
    %dma_start3A_15 = arith.constant 0 : i32
    %dma_start3A_16 = tpu.memref_slice %arg10[%dma_start3A_13, %dma_start3A_14, %dma_start3A_15] : memref<2x128x128xf32, #tpu.memory_space<vmem>> -> memref<1x128x128xf32, #tpu.memory_space<vmem>>
    %dma_start3A_17 = tpu.memref_squeeze %dma_start3A_16 : memref<1x128x128xf32, #tpu.memory_space<vmem>> -> memref<128x128xf32, #tpu.memory_space<vmem>>
    %dma_start3A_18 = arith.constant 0 : i32
    %dma_start3A_19 = tpu.memref_slice %arg8[%dma_start3A_12, %dma_start3A_18] : memref<2x128xi32, #tpu.memory_space<vmem>> -> memref<1x128xi32, #tpu.memory_space<vmem>>
    %dma_start3A_20 = tpu.memref_squeeze %dma_start3A_19 : memref<1x128xi32, #tpu.memory_space<vmem>> -> memref<128xi32, #tpu.memory_space<vmem>>
    %dma_start3A_21 = arith.constant 0 : i32
    %dma_start3A_22 = arith.constant 0 : i32
    %dma_start3A_23 = tpu.memref_slice %arg2[%dma_start3A_21, %dma_start3A_22] : memref<10240x128xf32, #tpu.memory_space<hbm>> -> memref<10240x128xf32, #tpu.memory_space<hbm>>
    tpu.enqueue_indirect_dma source(%dma_start3A_23 : memref<10240x128xf32, #tpu.memory_space<hbm>>) target(%dma_start3A_17 : memref<128x128xf32, #tpu.memory_space<vmem>>) offsets(%dma_start3A_20 : memref<128xi32, #tpu.memory_space<vmem>>) semaphore(%arg12 : memref<!tpu.dma_semaphore, #tpu.memory_space<semaphore_mem>>)
    %dma_start3A_24 = arith.constant 0 : i32
    %dma_start3A_25 = arith.constant 0 : i32
    %dma_start3A_26 = arith.constant 0 : i32
    %dma_start3A_27 = arith.constant 0 : i32
    %dma_start3A_28 = tpu.memref_slice %arg11[%dma_start3A_25, %dma_start3A_26, %dma_start3A_27] : memref<2x128x128xf32, #tpu.memory_space<vmem>> -> memref<1x128x128xf32, #tpu.memory_space<vmem>>
    %dma_start3A_29 = tpu.memref_squeeze %dma_start3A_28 : memref<1x128x128xf32, #tpu.memory_space<vmem>> -> memref<128x128xf32, #tpu.memory_space<vmem>>
    %dma_start3A_30 = arith.constant 0 : i32
    %dma_start3A_31 = tpu.memref_slice %arg9[%dma_start3A_24, %dma_start3A_30] : memref<2x128xi32, #tpu.memory_space<vmem>> -> memref<1x128xi32, #tpu.memory_space<vmem>>
    %dma_start3A_32 = tpu.memref_squeeze %dma_start3A_31 : memref<1x128xi32, #tpu.memory_space<vmem>> -> memref<128xi32, #tpu.memory_space<vmem>>
    %dma_start3A_33 = arith.constant 0 : i32
    %dma_start3A_34 = arith.constant 0 : i32
    %dma_start3A_35 = tpu.memref_slice %arg3[%dma_start3A_33, %dma_start3A_34] : memref<10240x128xf32, #tpu.memory_space<hbm>> -> memref<10240x128xf32, #tpu.memory_space<hbm>>
    tpu.enqueue_indirect_dma source(%dma_start3A_35 : memref<10240x128xf32, #tpu.memory_space<hbm>>) target(%dma_start3A_29 : memref<128x128xf32, #tpu.memory_space<vmem>>) offsets(%dma_start3A_32 : memref<128xi32, #tpu.memory_space<vmem>>) semaphore(%arg13 : memref<!tpu.dma_semaphore, #tpu.memory_space<semaphore_mem>>)
    %dma_start3A_36 = arith.constant 1 : i32
    %dma_start3A_37 = arith.constant 1 : i32
    %dma_start3A_38 = arith.constant 0 : i32
    %dma_start3A_39 = arith.constant 0 : i32
    %dma_start3A_40 = tpu.memref_slice %arg11[%dma_start3A_37, %dma_start3A_38, %dma_start3A_39] : memref<2x128x128xf32, #tpu.memory_space<vmem>> -> memref<1x128x128xf32, #tpu.memory_space<vmem>>
    %dma_start3A_41 = tpu.memref_squeeze %dma_start3A_40 : memref<1x128x128xf32, #tpu.memory_space<vmem>> -> memref<128x128xf32, #tpu.memory_space<vmem>>
    %dma_start3A_42 = arith.constant 0 : i32
    %dma_start3A_43 = tpu.memref_slice %arg9[%dma_start3A_36, %dma_start3A_42] : memref<2x128xi32, #tpu.memory_space<vmem>> -> memref<1x128xi32, #tpu.memory_space<vmem>>
    %dma_start3A_44 = tpu.memref_squeeze %dma_start3A_43 : memref<1x128xi32, #tpu.memory_space<vmem>> -> memref<128xi32, #tpu.memory_space<vmem>>
    %dma_start3A_45 = arith.constant 0 : i32
    %dma_start3A_46 = arith.constant 0 : i32
    %dma_start3A_47 = tpu.memref_slice %arg3[%dma_start3A_45, %dma_start3A_46] : memref<10240x128xf32, #tpu.memory_space<hbm>> -> memref<10240x128xf32, #tpu.memory_space<hbm>>
    tpu.enqueue_indirect_dma source(%dma_start3A_47 : memref<10240x128xf32, #tpu.memory_space<hbm>>) target(%dma_start3A_41 : memref<128x128xf32, #tpu.memory_space<vmem>>) offsets(%dma_start3A_44 : memref<128xi32, #tpu.memory_space<vmem>>) semaphore(%arg13 : memref<!tpu.dma_semaphore, #tpu.memory_space<semaphore_mem>>)
    %mul3A_48 = arith.constant 256 : i32
    %mul3A_49 = arith.muli %add3A, %mul3A_48 : i32
    %dma_wait3A = arith.constant 0 : i32
    %dma_wait3A_50 = arith.constant 0 : i32
    %dma_wait3A_51 = arith.constant 0 : i32
    %dma_wait3A_52 = arith.constant 0 : i32
    %dma_wait3A_53 = tpu.memref_slice %arg10[%dma_wait3A_50, %dma_wait3A_51, %dma_wait3A_52] : memref<2x128x128xf32, #tpu.memory_space<vmem>> -> memref<1x128x128xf32, #tpu.memory_space<vmem>>
    %dma_wait3A_54 = tpu.memref_squeeze %dma_wait3A_53 : memref<1x128x128xf32, #tpu.memory_space<vmem>> -> memref<128x128xf32, #tpu.memory_space<vmem>>
    %dma_wait3A_55 = arith.constant 0 : i32
    %dma_wait3A_56 = tpu.memref_slice %arg8[%dma_wait3A, %dma_wait3A_55] : memref<2x128xi32, #tpu.memory_space<vmem>> -> memref<1x128xi32, #tpu.memory_space<vmem>>
    %dma_wait3A_57 = tpu.memref_squeeze %dma_wait3A_56 : memref<1x128xi32, #tpu.memory_space<vmem>> -> memref<128xi32, #tpu.memory_space<vmem>>
    %dma_wait3A_58 = arith.constant 0 : i32
    %dma_wait3A_59 = arith.constant 0 : i32
    %dma_wait3A_60 = tpu.memref_slice %arg2[%dma_wait3A_58, %dma_wait3A_59] : memref<10240x128xf32, #tpu.memory_space<hbm>> -> memref<10240x128xf32, #tpu.memory_space<hbm>>
    tpu.wait_indirect_dma semaphore(%arg12 : memref<!tpu.dma_semaphore, #tpu.memory_space<semaphore_mem>>) src(%dma_wait3A_60 : memref<10240x128xf32, #tpu.memory_space<hbm>>) dst(%dma_wait3A_54 : memref<128x128xf32, #tpu.memory_space<vmem>>)
    %run_scoped3A = arith.constant 0 : i32
    "tpu.region"() ({
      %run_scoped3A_104 = tpu.sem_alloc : memref<!tpu.dma_semaphore, #tpu.memory_space<semaphore_mem>>
      %dma_start3A_105 = arith.constant 0 : i32
      %dma_start3A_106 = arith.constant 0 : i32
      %dma_start3A_107 = tpu.memref_slice %arg10[%run_scoped3A, %dma_start3A_105, %dma_start3A_106] : memref<2x128x128xf32, #tpu.memory_space<vmem>> -> memref<1x128x128xf32, #tpu.memory_space<vmem>>
      %dma_start3A_108 = tpu.memref_squeeze %dma_start3A_107 : memref<1x128x128xf32, #tpu.memory_space<vmem>> -> memref<128x128xf32, #tpu.memory_space<vmem>>
      %dma_start3A_109 = arith.constant 0 : i32
      %dma_start3A_110 = tpu.memref_slice %arg6[%mul3A_49, %dma_start3A_109] : memref<8192x128xf32, #tpu.memory_space<hbm>> -> memref<128x128xf32, #tpu.memory_space<hbm>>
      %dma_start3A_111 = arith.constant 0 : i32
      %dma_start3A_112 = tpu.memref_slice %arg6[%mul3A_49, %dma_start3A_111] : memref<8192x128xf32, #tpu.memory_space<hbm>> -> memref<128x128xf32, #tpu.memory_space<hbm>>
      %dma_start3A_113 = arith.constant 0 : i32
      %dma_start3A_114 = arith.constant 0 : i32
      %dma_start3A_115 = tpu.memref_slice %arg10[%run_scoped3A, %dma_start3A_113, %dma_start3A_114] : memref<2x128x128xf32, #tpu.memory_space<vmem>> -> memref<1x128x128xf32, #tpu.memory_space<vmem>>
      %dma_start3A_116 = tpu.memref_squeeze %dma_start3A_115 : memref<1x128x128xf32, #tpu.memory_space<vmem>> -> memref<128x128xf32, #tpu.memory_space<vmem>>
      tpu.enqueue_dma source(%dma_start3A_116 : memref<128x128xf32, #tpu.memory_space<vmem>>) target(%dma_start3A_112 : memref<128x128xf32, #tpu.memory_space<hbm>>) target_semaphore(%run_scoped3A_104 : memref<!tpu.dma_semaphore, #tpu.memory_space<semaphore_mem>>)
      %dma_wait3A_117 = arith.constant 0 : i32
      %dma_wait3A_118 = arith.constant 0 : i32
      %dma_wait3A_119 = tpu.memref_slice %arg10[%run_scoped3A, %dma_wait3A_117, %dma_wait3A_118] : memref<2x128x128xf32, #tpu.memory_space<vmem>> -> memref<1x128x128xf32, #tpu.memory_space<vmem>>
      %dma_wait3A_120 = tpu.memref_squeeze %dma_wait3A_119 : memref<1x128x128xf32, #tpu.memory_space<vmem>> -> memref<128x128xf32, #tpu.memory_space<vmem>>
      %dma_wait3A_121 = arith.constant 0 : i32
      %dma_wait3A_122 = tpu.memref_slice %arg6[%mul3A_49, %dma_wait3A_121] : memref<8192x128xf32, #tpu.memory_space<hbm>> -> memref<128x128xf32, #tpu.memory_space<hbm>>
      %dma_wait3A_123 = arith.constant 0 : i32
      %dma_wait3A_124 = tpu.memref_slice %arg6[%mul3A_49, %dma_wait3A_123] : memref<8192x128xf32, #tpu.memory_space<hbm>> -> memref<128x128xf32, #tpu.memory_space<hbm>>
      %dma_wait3A_125 = arith.constant 0 : i32
      %dma_wait3A_126 = arith.constant 0 : i32
      %dma_wait3A_127 = tpu.memref_slice %arg10[%run_scoped3A, %dma_wait3A_125, %dma_wait3A_126] : memref<2x128x128xf32, #tpu.memory_space<vmem>> -> memref<1x128x128xf32, #tpu.memory_space<vmem>>
      %dma_wait3A_128 = tpu.memref_squeeze %dma_wait3A_127 : memref<1x128x128xf32, #tpu.memory_space<vmem>> -> memref<128x128xf32, #tpu.memory_space<vmem>>
      tpu.wait_dma2 semaphore(%run_scoped3A_104 : memref<!tpu.dma_semaphore, #tpu.memory_space<semaphore_mem>>) src(%dma_wait3A_128 : memref<128x128xf32, #tpu.memory_space<vmem>>) dst(%dma_wait3A_124 : memref<128x128xf32, #tpu.memory_space<hbm>>)
      tpu.yield
    }) : () -> ()
    %dma_wait3A_61 = arith.constant 1 : i32
    %dma_wait3A_62 = arith.constant 1 : i32
    %dma_wait3A_63 = arith.constant 0 : i32
    %dma_wait3A_64 = arith.constant 0 : i32
    %dma_wait3A_65 = tpu.memref_slice %arg10[%dma_wait3A_62, %dma_wait3A_63, %dma_wait3A_64] : memref<2x128x128xf32, #tpu.memory_space<vmem>> -> memref<1x128x128xf32, #tpu.memory_space<vmem>>
    %dma_wait3A_66 = tpu.memref_squeeze %dma_wait3A_65 : memref<1x128x128xf32, #tpu.memory_space<vmem>> -> memref<128x128xf32, #tpu.memory_space<vmem>>
    %dma_wait3A_67 = arith.constant 0 : i32
    %dma_wait3A_68 = tpu.memref_slice %arg8[%dma_wait3A_61, %dma_wait3A_67] : memref<2x128xi32, #tpu.memory_space<vmem>> -> memref<1x128xi32, #tpu.memory_space<vmem>>
    %dma_wait3A_69 = tpu.memref_squeeze %dma_wait3A_68 : memref<1x128xi32, #tpu.memory_space<vmem>> -> memref<128xi32, #tpu.memory_space<vmem>>
    %dma_wait3A_70 = arith.constant 0 : i32
    %dma_wait3A_71 = arith.constant 0 : i32
    %dma_wait3A_72 = tpu.memref_slice %arg2[%dma_wait3A_70, %dma_wait3A_71] : memref<10240x128xf32, #tpu.memory_space<hbm>> -> memref<10240x128xf32, #tpu.memory_space<hbm>>
    tpu.wait_indirect_dma semaphore(%arg12 : memref<!tpu.dma_semaphore, #tpu.memory_space<semaphore_mem>>) src(%dma_wait3A_72 : memref<10240x128xf32, #tpu.memory_space<hbm>>) dst(%dma_wait3A_66 : memref<128x128xf32, #tpu.memory_space<vmem>>)
    %add3A_73 = arith.constant 128 : i32
    %add3A_74 = arith.addi %mul3A_49, %add3A_73 : i32
    %run_scoped3A_75 = arith.constant 1 : i32
    "tpu.region"() ({
      %run_scoped3A_104 = tpu.sem_alloc : memref<!tpu.dma_semaphore, #tpu.memory_space<semaphore_mem>>
      %dma_start3A_105 = arith.constant 0 : i32
      %dma_start3A_106 = arith.constant 0 : i32
      %dma_start3A_107 = tpu.memref_slice %arg10[%run_scoped3A_75, %dma_start3A_105, %dma_start3A_106] : memref<2x128x128xf32, #tpu.memory_space<vmem>> -> memref<1x128x128xf32, #tpu.memory_space<vmem>>
      %dma_start3A_108 = tpu.memref_squeeze %dma_start3A_107 : memref<1x128x128xf32, #tpu.memory_space<vmem>> -> memref<128x128xf32, #tpu.memory_space<vmem>>
      %dma_start3A_109 = arith.constant 0 : i32
      %dma_start3A_110 = tpu.memref_slice %arg6[%add3A_74, %dma_start3A_109] : memref<8192x128xf32, #tpu.memory_space<hbm>> -> memref<128x128xf32, #tpu.memory_space<hbm>>
      %dma_start3A_111 = arith.constant 0 : i32
      %dma_start3A_112 = tpu.memref_slice %arg6[%add3A_74, %dma_start3A_111] : memref<8192x128xf32, #tpu.memory_space<hbm>> -> memref<128x128xf32, #tpu.memory_space<hbm>>
      %dma_start3A_113 = arith.constant 0 : i32
      %dma_start3A_114 = arith.constant 0 : i32
      %dma_start3A_115 = tpu.memref_slice %arg10[%run_scoped3A_75, %dma_start3A_113, %dma_start3A_114] : memref<2x128x128xf32, #tpu.memory_space<vmem>> -> memref<1x128x128xf32, #tpu.memory_space<vmem>>
      %dma_start3A_116 = tpu.memref_squeeze %dma_start3A_115 : memref<1x128x128xf32, #tpu.memory_space<vmem>> -> memref<128x128xf32, #tpu.memory_space<vmem>>
      tpu.enqueue_dma source(%dma_start3A_116 : memref<128x128xf32, #tpu.memory_space<vmem>>) target(%dma_start3A_112 : memref<128x128xf32, #tpu.memory_space<hbm>>) target_semaphore(%run_scoped3A_104 : memref<!tpu.dma_semaphore, #tpu.memory_space<semaphore_mem>>)
      %dma_wait3A_117 = arith.constant 0 : i32
      %dma_wait3A_118 = arith.constant 0 : i32
      %dma_wait3A_119 = tpu.memref_slice %arg10[%run_scoped3A_75, %dma_wait3A_117, %dma_wait3A_118] : memref<2x128x128xf32, #tpu.memory_space<vmem>> -> memref<1x128x128xf32, #tpu.memory_space<vmem>>
      %dma_wait3A_120 = tpu.memref_squeeze %dma_wait3A_119 : memref<1x128x128xf32, #tpu.memory_space<vmem>> -> memref<128x128xf32, #tpu.memory_space<vmem>>
      %dma_wait3A_121 = arith.constant 0 : i32
      %dma_wait3A_122 = tpu.memref_slice %arg6[%add3A_74, %dma_wait3A_121] : memref<8192x128xf32, #tpu.memory_space<hbm>> -> memref<128x128xf32, #tpu.memory_space<hbm>>
      %dma_wait3A_123 = arith.constant 0 : i32
      %dma_wait3A_124 = tpu.memref_slice %arg6[%add3A_74, %dma_wait3A_123] : memref<8192x128xf32, #tpu.memory_space<hbm>> -> memref<128x128xf32, #tpu.memory_space<hbm>>
      %dma_wait3A_125 = arith.constant 0 : i32
      %dma_wait3A_126 = arith.constant 0 : i32
      %dma_wait3A_127 = tpu.memref_slice %arg10[%run_scoped3A_75, %dma_wait3A_125, %dma_wait3A_126] : memref<2x128x128xf32, #tpu.memory_space<vmem>> -> memref<1x128x128xf32, #tpu.memory_space<vmem>>
      %dma_wait3A_128 = tpu.memref_squeeze %dma_wait3A_127 : memref<1x128x128xf32, #tpu.memory_space<vmem>> -> memref<128x128xf32, #tpu.memory_space<vmem>>
      tpu.wait_dma2 semaphore(%run_scoped3A_104 : memref<!tpu.dma_semaphore, #tpu.memory_space<semaphore_mem>>) src(%dma_wait3A_128 : memref<128x128xf32, #tpu.memory_space<vmem>>) dst(%dma_wait3A_124 : memref<128x128xf32, #tpu.memory_space<hbm>>)
      tpu.yield
    }) : () -> ()
    %dma_wait3A_76 = arith.constant 0 : i32
    %dma_wait3A_77 = arith.constant 0 : i32
    %dma_wait3A_78 = arith.constant 0 : i32
    %dma_wait3A_79 = arith.constant 0 : i32
    %dma_wait3A_80 = tpu.memref_slice %arg11[%dma_wait3A_77, %dma_wait3A_78, %dma_wait3A_79] : memref<2x128x128xf32, #tpu.memory_space<vmem>> -> memref<1x128x128xf32, #tpu.memory_space<vmem>>
    %dma_wait3A_81 = tpu.memref_squeeze %dma_wait3A_80 : memref<1x128x128xf32, #tpu.memory_space<vmem>> -> memref<128x128xf32, #tpu.memory_space<vmem>>
    %dma_wait3A_82 = arith.constant 0 : i32
    %dma_wait3A_83 = tpu.memref_slice %arg9[%dma_wait3A_76, %dma_wait3A_82] : memref<2x128xi32, #tpu.memory_space<vmem>> -> memref<1x128xi32, #tpu.memory_space<vmem>>
    %dma_wait3A_84 = tpu.memref_squeeze %dma_wait3A_83 : memref<1x128xi32, #tpu.memory_space<vmem>> -> memref<128xi32, #tpu.memory_space<vmem>>
    %dma_wait3A_85 = arith.constant 0 : i32
    %dma_wait3A_86 = arith.constant 0 : i32
    %dma_wait3A_87 = tpu.memref_slice %arg3[%dma_wait3A_85, %dma_wait3A_86] : memref<10240x128xf32, #tpu.memory_space<hbm>> -> memref<10240x128xf32, #tpu.memory_space<hbm>>
    tpu.wait_indirect_dma semaphore(%arg13 : memref<!tpu.dma_semaphore, #tpu.memory_space<semaphore_mem>>) src(%dma_wait3A_87 : memref<10240x128xf32, #tpu.memory_space<hbm>>) dst(%dma_wait3A_81 : memref<128x128xf32, #tpu.memory_space<vmem>>)
    %run_scoped3A_88 = arith.constant 0 : i32
    "tpu.region"() ({
      %run_scoped3A_104 = tpu.sem_alloc : memref<!tpu.dma_semaphore, #tpu.memory_space<semaphore_mem>>
      %dma_start3A_105 = arith.constant 0 : i32
      %dma_start3A_106 = arith.constant 0 : i32
      %dma_start3A_107 = tpu.memref_slice %arg11[%run_scoped3A_88, %dma_start3A_105, %dma_start3A_106] : memref<2x128x128xf32, #tpu.memory_space<vmem>> -> memref<1x128x128xf32, #tpu.memory_space<vmem>>
      %dma_start3A_108 = tpu.memref_squeeze %dma_start3A_107 : memref<1x128x128xf32, #tpu.memory_space<vmem>> -> memref<128x128xf32, #tpu.memory_space<vmem>>
      %dma_start3A_109 = arith.constant 0 : i32
      %dma_start3A_110 = tpu.memref_slice %arg7[%mul3A_49, %dma_start3A_109] : memref<8192x128xf32, #tpu.memory_space<hbm>> -> memref<128x128xf32, #tpu.memory_space<hbm>>
      %dma_start3A_111 = arith.constant 0 : i32
      %dma_start3A_112 = tpu.memref_slice %arg7[%mul3A_49, %dma_start3A_111] : memref<8192x128xf32, #tpu.memory_space<hbm>> -> memref<128x128xf32, #tpu.memory_space<hbm>>
      %dma_start3A_113 = arith.constant 0 : i32
      %dma_start3A_114 = arith.constant 0 : i32
      %dma_start3A_115 = tpu.memref_slice %arg11[%run_scoped3A_88, %dma_start3A_113, %dma_start3A_114] : memref<2x128x128xf32, #tpu.memory_space<vmem>> -> memref<1x128x128xf32, #tpu.memory_space<vmem>>
      %dma_start3A_116 = tpu.memref_squeeze %dma_start3A_115 : memref<1x128x128xf32, #tpu.memory_space<vmem>> -> memref<128x128xf32, #tpu.memory_space<vmem>>
      tpu.enqueue_dma source(%dma_start3A_116 : memref<128x128xf32, #tpu.memory_space<vmem>>) target(%dma_start3A_112 : memref<128x128xf32, #tpu.memory_space<hbm>>) target_semaphore(%run_scoped3A_104 : memref<!tpu.dma_semaphore, #tpu.memory_space<semaphore_mem>>)
      %dma_wait3A_117 = arith.constant 0 : i32
      %dma_wait3A_118 = arith.constant 0 : i32
      %dma_wait3A_119 = tpu.memref_slice %arg11[%run_scoped3A_88, %dma_wait3A_117, %dma_wait3A_118] : memref<2x128x128xf32, #tpu.memory_space<vmem>> -> memref<1x128x128xf32, #tpu.memory_space<vmem>>
      %dma_wait3A_120 = tpu.memref_squeeze %dma_wait3A_119 : memref<1x128x128xf32, #tpu.memory_space<vmem>> -> memref<128x128xf32, #tpu.memory_space<vmem>>
      %dma_wait3A_121 = arith.constant 0 : i32
      %dma_wait3A_122 = tpu.memref_slice %arg7[%mul3A_49, %dma_wait3A_121] : memref<8192x128xf32, #tpu.memory_space<hbm>> -> memref<128x128xf32, #tpu.memory_space<hbm>>
      %dma_wait3A_123 = arith.constant 0 : i32
      %dma_wait3A_124 = tpu.memref_slice %arg7[%mul3A_49, %dma_wait3A_123] : memref<8192x128xf32, #tpu.memory_space<hbm>> -> memref<128x128xf32, #tpu.memory_space<hbm>>
      %dma_wait3A_125 = arith.constant 0 : i32
      %dma_wait3A_126 = arith.constant 0 : i32
      %dma_wait3A_127 = tpu.memref_slice %arg11[%run_scoped3A_88, %dma_wait3A_125, %dma_wait3A_126] : memref<2x128x128xf32, #tpu.memory_space<vmem>> -> memref<1x128x128xf32, #tpu.memory_space<vmem>>
      %dma_wait3A_128 = tpu.memref_squeeze %dma_wait3A_127 : memref<1x128x128xf32, #tpu.memory_space<vmem>> -> memref<128x128xf32, #tpu.memory_space<vmem>>
      tpu.wait_dma2 semaphore(%run_scoped3A_104 : memref<!tpu.dma_semaphore, #tpu.memory_space<semaphore_mem>>) src(%dma_wait3A_128 : memref<128x128xf32, #tpu.memory_space<vmem>>) dst(%dma_wait3A_124 : memref<128x128xf32, #tpu.memory_space<hbm>>)
      tpu.yield
    }) : () -> ()
    %dma_wait3A_89 = arith.constant 1 : i32
    %dma_wait3A_90 = arith.constant 1 : i32
    %dma_wait3A_91 = arith.constant 0 : i32
    %dma_wait3A_92 = arith.constant 0 : i32
    %dma_wait3A_93 = tpu.memref_slice %arg11[%dma_wait3A_90, %dma_wait3A_91, %dma_wait3A_92] : memref<2x128x128xf32, #tpu.memory_space<vmem>> -> memref<1x128x128xf32, #tpu.memory_space<vmem>>
    %dma_wait3A_94 = tpu.memref_squeeze %dma_wait3A_93 : memref<1x128x128xf32, #tpu.memory_space<vmem>> -> memref<128x128xf32, #tpu.memory_space<vmem>>
    %dma_wait3A_95 = arith.constant 0 : i32
    %dma_wait3A_96 = tpu.memref_slice %arg9[%dma_wait3A_89, %dma_wait3A_95] : memref<2x128xi32, #tpu.memory_space<vmem>> -> memref<1x128xi32, #tpu.memory_space<vmem>>
    %dma_wait3A_97 = tpu.memref_squeeze %dma_wait3A_96 : memref<1x128xi32, #tpu.memory_space<vmem>> -> memref<128xi32, #tpu.memory_space<vmem>>
    %dma_wait3A_98 = arith.constant 0 : i32
    %dma_wait3A_99 = arith.constant 0 : i32
    %dma_wait3A_100 = tpu.memref_slice %arg3[%dma_wait3A_98, %dma_wait3A_99] : memref<10240x128xf32, #tpu.memory_space<hbm>> -> memref<10240x128xf32, #tpu.memory_space<hbm>>
    tpu.wait_indirect_dma semaphore(%arg13 : memref<!tpu.dma_semaphore, #tpu.memory_space<semaphore_mem>>) src(%dma_wait3A_100 : memref<10240x128xf32, #tpu.memory_space<hbm>>) dst(%dma_wait3A_94 : memref<128x128xf32, #tpu.memory_space<vmem>>)
    %add3A_101 = arith.constant 128 : i32
    %add3A_102 = arith.addi %mul3A_49, %add3A_101 : i32
    %run_scoped3A_103 = arith.constant 1 : i32
    "tpu.region"() ({
      %run_scoped3A_104 = tpu.sem_alloc : memref<!tpu.dma_semaphore, #tpu.memory_space<semaphore_mem>>
      %dma_start3A_105 = arith.constant 0 : i32
      %dma_start3A_106 = arith.constant 0 : i32
      %dma_start3A_107 = tpu.memref_slice %arg11[%run_scoped3A_103, %dma_start3A_105, %dma_start3A_106] : memref<2x128x128xf32, #tpu.memory_space<vmem>> -> memref<1x128x128xf32, #tpu.memory_space<vmem>>
      %dma_start3A_108 = tpu.memref_squeeze %dma_start3A_107 : memref<1x128x128xf32, #tpu.memory_space<vmem>> -> memref<128x128xf32, #tpu.memory_space<vmem>>
      %dma_start3A_109 = arith.constant 0 : i32
      %dma_start3A_110 = tpu.memref_slice %arg7[%add3A_102, %dma_start3A_109] : memref<8192x128xf32, #tpu.memory_space<hbm>> -> memref<128x128xf32, #tpu.memory_space<hbm>>
      %dma_start3A_111 = arith.constant 0 : i32
      %dma_start3A_112 = tpu.memref_slice %arg7[%add3A_102, %dma_start3A_111] : memref<8192x128xf32, #tpu.memory_space<hbm>> -> memref<128x128xf32, #tpu.memory_space<hbm>>
      %dma_start3A_113 = arith.constant 0 : i32
      %dma_start3A_114 = arith.constant 0 : i32
      %dma_start3A_115 = tpu.memref_slice %arg11[%run_scoped3A_103, %dma_start3A_113, %dma_start3A_114] : memref<2x128x128xf32, #tpu.memory_space<vmem>> -> memref<1x128x128xf32, #tpu.memory_space<vmem>>
      %dma_start3A_116 = tpu.memref_squeeze %dma_start3A_115 : memref<1x128x128xf32, #tpu.memory_space<vmem>> -> memref<128x128xf32, #tpu.memory_space<vmem>>
      tpu.enqueue_dma source(%dma_start3A_116 : memref<128x128xf32, #tpu.memory_space<vmem>>) target(%dma_start3A_112 : memref<128x128xf32, #tpu.memory_space<hbm>>) target_semaphore(%run_scoped3A_104 : memref<!tpu.dma_semaphore, #tpu.memory_space<semaphore_mem>>)
      %dma_wait3A_117 = arith.constant 0 : i32
      %dma_wait3A_118 = arith.constant 0 : i32
      %dma_wait3A_119 = tpu.memref_slice %arg11[%run_scoped3A_103, %dma_wait3A_117, %dma_wait3A_118] : memref<2x128x128xf32, #tpu.memory_space<vmem>> -> memref<1x128x128xf32, #tpu.memory_space<vmem>>
      %dma_wait3A_120 = tpu.memref_squeeze %dma_wait3A_119 : memref<1x128x128xf32, #tpu.memory_space<vmem>> -> memref<128x128xf32, #tpu.memory_space<vmem>>
      %dma_wait3A_121 = arith.constant 0 : i32
      %dma_wait3A_122 = tpu.memref_slice %arg7[%add3A_102, %dma_wait3A_121] : memref<8192x128xf32, #tpu.memory_space<hbm>> -> memref<128x128xf32, #tpu.memory_space<hbm>>
      %dma_wait3A_123 = arith.constant 0 : i32
      %dma_wait3A_124 = tpu.memref_slice %arg7[%add3A_102, %dma_wait3A_123] : memref<8192x128xf32, #tpu.memory_space<hbm>> -> memref<128x128xf32, #tpu.memory_space<hbm>>
      %dma_wait3A_125 = arith.constant 0 : i32
      %dma_wait3A_126 = arith.constant 0 : i32
      %dma_wait3A_127 = tpu.memref_slice %arg11[%run_scoped3A_103, %dma_wait3A_125, %dma_wait3A_126] : memref<2x128x128xf32, #tpu.memory_space<vmem>> -> memref<1x128x128xf32, #tpu.memory_space<vmem>>
      %dma_wait3A_128 = tpu.memref_squeeze %dma_wait3A_127 : memref<1x128x128xf32, #tpu.memory_space<vmem>> -> memref<128x128xf32, #tpu.memory_space<vmem>>
      tpu.wait_dma2 semaphore(%run_scoped3A_104 : memref<!tpu.dma_semaphore, #tpu.memory_space<semaphore_mem>>) src(%dma_wait3A_128 : memref<128x128xf32, #tpu.memory_space<vmem>>) dst(%dma_wait3A_124 : memref<128x128xf32, #tpu.memory_space<hbm>>)
      tpu.yield
    }) : () -> ()
    return
  }
}

#map = affine_map<(d0, d1) -> (0, 0)>
#map1 = affine_map<(d0, d1) -> (0, 0, 0)>
module attributes {stable_mosaic.version = 14 : i64} {
  func.func @_scatter_kernel(%arg0: i32, %arg1: i32, %arg2: memref<10240x128xf32, #tpu.memory_space<hbm>>, %arg3: memref<32x10000xi32, #tpu.memory_space<hbm>>, %arg4: memref<32x125x80xi32, #tpu.memory_space<hbm>>, %arg5: memref<2x10240x128xf32, #tpu.memory_space<hbm>>, %arg6: memref<10000xi32, #tpu.memory_space<vmem>>, %arg7: memref<125x80xi32, #tpu.memory_space<vmem>>, %arg8: memref<80x128xf32, #tpu.memory_space<vmem>>, %arg9: memref<80x128xf32, #tpu.memory_space<vmem>>, %arg10: memref<!tpu.dma_semaphore, #tpu.memory_space<semaphore_mem>>, %arg11: memref<!tpu.dma_semaphore, #tpu.memory_space<semaphore_mem>>, %arg12: memref<10240x128xf32, #tpu.memory_space<vmem_shared>>) attributes {dimension_semantics = [#tpu.dimension_semantics<core_parallel>, #tpu.dimension_semantics<subcore_parallel>], iteration_bounds = array<i64: 2, 16>, scalar_prefetch = 0 : i64, scratch_operands = 7 : i64, tpu.core_type = #tpu.core_type<sc_vector_subcore>, window_params = [{transform_indices = #map}, {transform_indices = #map}, {transform_indices = #map1}, {transform_indices = #map1}]} {
    %mul3A = arith.constant 2 : i32
    %mul3A_0 = arith.muli %arg1, %mul3A : i32
    %add3A = arith.addi %mul3A_0, %arg0 : i32
    "tpu.region"() ({
      %run_scoped3A_23 = tpu.sem_alloc : memref<!tpu.dma_semaphore, #tpu.memory_space<semaphore_mem>>
      %dma_start3A_24 = arith.constant 0 : i32
      %dma_start3A_25 = tpu.memref_slice %arg3[%add3A, %dma_start3A_24] : memref<32x10000xi32, #tpu.memory_space<hbm>> -> memref<1x10000xi32, #tpu.memory_space<hbm>>
      %dma_start3A_26 = tpu.memref_squeeze %dma_start3A_25 : memref<1x10000xi32, #tpu.memory_space<hbm>> -> memref<10000xi32, #tpu.memory_space<hbm>>
      %dma_start3A_27 = arith.constant 0 : i32
      %dma_start3A_28 = tpu.memref_slice %arg3[%add3A, %dma_start3A_27] : memref<32x10000xi32, #tpu.memory_space<hbm>> -> memref<1x10000xi32, #tpu.memory_space<hbm>>
      %dma_start3A_29 = tpu.memref_squeeze %dma_start3A_28 : memref<1x10000xi32, #tpu.memory_space<hbm>> -> memref<10000xi32, #tpu.memory_space<hbm>>
      tpu.enqueue_dma source(%dma_start3A_29 : memref<10000xi32, #tpu.memory_space<hbm>>) target(%arg6 : memref<10000xi32, #tpu.memory_space<vmem>>) target_semaphore(%run_scoped3A_23 : memref<!tpu.dma_semaphore, #tpu.memory_space<semaphore_mem>>)
      %dma_wait3A_30 = arith.constant 0 : i32
      %dma_wait3A_31 = tpu.memref_slice %arg3[%add3A, %dma_wait3A_30] : memref<32x10000xi32, #tpu.memory_space<hbm>> -> memref<1x10000xi32, #tpu.memory_space<hbm>>
      %dma_wait3A_32 = tpu.memref_squeeze %dma_wait3A_31 : memref<1x10000xi32, #tpu.memory_space<hbm>> -> memref<10000xi32, #tpu.memory_space<hbm>>
      %dma_wait3A_33 = arith.constant 0 : i32
      %dma_wait3A_34 = tpu.memref_slice %arg3[%add3A, %dma_wait3A_33] : memref<32x10000xi32, #tpu.memory_space<hbm>> -> memref<1x10000xi32, #tpu.memory_space<hbm>>
      %dma_wait3A_35 = tpu.memref_squeeze %dma_wait3A_34 : memref<1x10000xi32, #tpu.memory_space<hbm>> -> memref<10000xi32, #tpu.memory_space<hbm>>
      tpu.wait_dma2 semaphore(%run_scoped3A_23 : memref<!tpu.dma_semaphore, #tpu.memory_space<semaphore_mem>>) src(%dma_wait3A_35 : memref<10000xi32, #tpu.memory_space<hbm>>) dst(%arg6 : memref<10000xi32, #tpu.memory_space<vmem>>)
      tpu.yield
    }) : () -> ()
    "tpu.region"() ({
      %run_scoped3A_23 = tpu.sem_alloc : memref<!tpu.dma_semaphore, #tpu.memory_space<semaphore_mem>>
      %dma_start3A_24 = arith.constant 0 : i32
      %dma_start3A_25 = arith.constant 0 : i32
      %dma_start3A_26 = tpu.memref_slice %arg4[%add3A, %dma_start3A_24, %dma_start3A_25] : memref<32x125x80xi32, #tpu.memory_space<hbm>> -> memref<1x125x80xi32, #tpu.memory_space<hbm>>
      %dma_start3A_27 = tpu.memref_squeeze %dma_start3A_26 : memref<1x125x80xi32, #tpu.memory_space<hbm>> -> memref<125x80xi32, #tpu.memory_space<hbm>>
      %dma_start3A_28 = arith.constant 0 : i32
      %dma_start3A_29 = arith.constant 0 : i32
      %dma_start3A_30 = tpu.memref_slice %arg4[%add3A, %dma_start3A_28, %dma_start3A_29] : memref<32x125x80xi32, #tpu.memory_space<hbm>> -> memref<1x125x80xi32, #tpu.memory_space<hbm>>
      %dma_start3A_31 = tpu.memref_squeeze %dma_start3A_30 : memref<1x125x80xi32, #tpu.memory_space<hbm>> -> memref<125x80xi32, #tpu.memory_space<hbm>>
      tpu.enqueue_dma source(%dma_start3A_31 : memref<125x80xi32, #tpu.memory_space<hbm>>) target(%arg7 : memref<125x80xi32, #tpu.memory_space<vmem>>) target_semaphore(%run_scoped3A_23 : memref<!tpu.dma_semaphore, #tpu.memory_space<semaphore_mem>>)
      %dma_wait3A_32 = arith.constant 0 : i32
      %dma_wait3A_33 = arith.constant 0 : i32
      %dma_wait3A_34 = tpu.memref_slice %arg4[%add3A, %dma_wait3A_32, %dma_wait3A_33] : memref<32x125x80xi32, #tpu.memory_space<hbm>> -> memref<1x125x80xi32, #tpu.memory_space<hbm>>
      %dma_wait3A_35 = tpu.memref_squeeze %dma_wait3A_34 : memref<1x125x80xi32, #tpu.memory_space<hbm>> -> memref<125x80xi32, #tpu.memory_space<hbm>>
      %dma_wait3A_36 = arith.constant 0 : i32
      %dma_wait3A_37 = arith.constant 0 : i32
      %dma_wait3A_38 = tpu.memref_slice %arg4[%add3A, %dma_wait3A_36, %dma_wait3A_37] : memref<32x125x80xi32, #tpu.memory_space<hbm>> -> memref<1x125x80xi32, #tpu.memory_space<hbm>>
      %dma_wait3A_39 = tpu.memref_squeeze %dma_wait3A_38 : memref<1x125x80xi32, #tpu.memory_space<hbm>> -> memref<125x80xi32, #tpu.memory_space<hbm>>
      tpu.wait_dma2 semaphore(%run_scoped3A_23 : memref<!tpu.dma_semaphore, #tpu.memory_space<semaphore_mem>>) src(%dma_wait3A_39 : memref<125x80xi32, #tpu.memory_space<hbm>>) dst(%arg7 : memref<125x80xi32, #tpu.memory_space<vmem>>)
      tpu.yield
    }) : () -> ()
    %dma_start3A = arith.constant 0 : i32
    %dma_start3A_1 = tpu.memref_slice %arg6[%dma_start3A] : memref<10000xi32, #tpu.memory_space<vmem>> -> memref<80xi32, #tpu.memory_space<vmem>>
    %dma_start3A_2 = arith.constant 0 : i32
    %dma_start3A_3 = arith.constant 0 : i32
    %dma_start3A_4 = tpu.memref_slice %arg2[%dma_start3A_2, %dma_start3A_3] : memref<10240x128xf32, #tpu.memory_space<hbm>> -> memref<10240x128xf32, #tpu.memory_space<hbm>>
    tpu.enqueue_indirect_dma source(%dma_start3A_4 : memref<10240x128xf32, #tpu.memory_space<hbm>>) target(%arg8 : memref<80x128xf32, #tpu.memory_space<vmem>>) offsets(%dma_start3A_1 : memref<80xi32, #tpu.memory_space<vmem>>) semaphore(%arg10 : memref<!tpu.dma_semaphore, #tpu.memory_space<semaphore_mem>>)
    %mul3A_5 = arith.constant 640 : i32
    %mul3A_6 = arith.muli %arg1, %mul3A_5 : i32
    %mul3A_7 = arith.constant 640 : i32
    %mul3A_8 = arith.muli %arg1, %mul3A_7 : i32
    "tpu.region"() ({
      %run_scoped3A_23 = tpu.sem_alloc : memref<!tpu.dma_semaphore, #tpu.memory_space<semaphore_mem>>
      %dma_start3A_24 = arith.constant 0 : i32
      %dma_start3A_25 = tpu.memref_slice %arg12[%mul3A_8, %dma_start3A_24] : memref<10240x128xf32, #tpu.memory_space<vmem_shared>> -> memref<640x128xf32, #tpu.memory_space<vmem_shared>>
      %dma_start3A_26 = arith.constant 0 : i32
      %dma_start3A_27 = tpu.memref_slice %arg2[%mul3A_6, %dma_start3A_26] : memref<10240x128xf32, #tpu.memory_space<hbm>> -> memref<640x128xf32, #tpu.memory_space<hbm>>
      tpu.enqueue_dma source(%dma_start3A_27 : memref<640x128xf32, #tpu.memory_space<hbm>>) target(%dma_start3A_25 : memref<640x128xf32, #tpu.memory_space<vmem_shared>>) target_semaphore(%run_scoped3A_23 : memref<!tpu.dma_semaphore, #tpu.memory_space<semaphore_mem>>)
      %dma_wait3A_28 = arith.constant 0 : i32
      %dma_wait3A_29 = tpu.memref_slice %arg12[%mul3A_8, %dma_wait3A_28] : memref<10240x128xf32, #tpu.memory_space<vmem_shared>> -> memref<640x128xf32, #tpu.memory_space<vmem_shared>>
      %dma_wait3A_30 = arith.constant 0 : i32
      %dma_wait3A_31 = tpu.memref_slice %arg2[%mul3A_6, %dma_wait3A_30] : memref<10240x128xf32, #tpu.memory_space<hbm>> -> memref<640x128xf32, #tpu.memory_space<hbm>>
      tpu.wait_dma2 semaphore(%run_scoped3A_23 : memref<!tpu.dma_semaphore, #tpu.memory_space<semaphore_mem>>) src(%dma_wait3A_31 : memref<640x128xf32, #tpu.memory_space<hbm>>) dst(%dma_wait3A_29 : memref<640x128xf32, #tpu.memory_space<vmem_shared>>)
      tpu.yield
    }) : () -> ()
    %barrier3A = arith.constant 0 : index
    tpu.barrier barrier_id(%barrier3A)
    %scan3A = arith.constant 0 : i32
    %scan3A_9 = arith.constant 0 : i32
    %scan3A_10 = arith.constant 62 : i32
    %scan3A_11 = arith.addi %scan3A_9, %scan3A_10 : i32
    %scan3A_12 = arith.constant 1 : i32
    scf.for %scan3A_23 = %scan3A_9 to %scan3A_11 step %scan3A_12  : i32 {
      %mul3A_24 = arith.constant 2 : i32
      %mul3A_25 = arith.muli %mul3A_24, %scan3A_23 : i32
      %add3A_26 = arith.constant 1 : i32
      %add3A_27 = arith.addi %mul3A_25, %add3A_26 : i32
      %mul3A_28 = arith.constant 80 : i32
      %mul3A_29 = arith.muli %add3A_27, %mul3A_28 : i32
      %dma_start3A_30 = tpu.memref_slice %arg6[%mul3A_29] : memref<10000xi32, #tpu.memory_space<vmem>> -> memref<80xi32, #tpu.memory_space<vmem>>
      %dma_start3A_31 = arith.constant 0 : i32
      %dma_start3A_32 = arith.constant 0 : i32
      %dma_start3A_33 = tpu.memref_slice %arg2[%dma_start3A_31, %dma_start3A_32] : memref<10240x128xf32, #tpu.memory_space<hbm>> -> memref<10240x128xf32, #tpu.memory_space<hbm>>
      tpu.enqueue_indirect_dma source(%dma_start3A_33 : memref<10240x128xf32, #tpu.memory_space<hbm>>) target(%arg9 : memref<80x128xf32, #tpu.memory_space<vmem>>) offsets(%dma_start3A_30 : memref<80xi32, #tpu.memory_space<vmem>>) semaphore(%arg11 : memref<!tpu.dma_semaphore, #tpu.memory_space<semaphore_mem>>)
      %mul3A_34 = arith.constant 80 : i32
      %mul3A_35 = arith.muli %mul3A_25, %mul3A_34 : i32
      %dma_wait3A_36 = tpu.memref_slice %arg6[%mul3A_35] : memref<10000xi32, #tpu.memory_space<vmem>> -> memref<80xi32, #tpu.memory_space<vmem>>
      %dma_wait3A_37 = arith.constant 0 : i32
      %dma_wait3A_38 = arith.constant 0 : i32
      %dma_wait3A_39 = tpu.memref_slice %arg2[%dma_wait3A_37, %dma_wait3A_38] : memref<10240x128xf32, #tpu.memory_space<hbm>> -> memref<10240x128xf32, #tpu.memory_space<hbm>>
      tpu.wait_indirect_dma semaphore(%arg10 : memref<!tpu.dma_semaphore, #tpu.memory_space<semaphore_mem>>) src(%dma_wait3A_39 : memref<10240x128xf32, #tpu.memory_space<hbm>>) dst(%arg8 : memref<80x128xf32, #tpu.memory_space<vmem>>)
      "tpu.region"() ({
        %run_scoped3A_58 = tpu.sem_alloc : memref<!tpu.dma_semaphore, #tpu.memory_space<semaphore_mem>>
        %dma_start3A_59 = arith.constant 0 : i32
        %dma_start3A_60 = tpu.memref_slice %arg7[%mul3A_25, %dma_start3A_59] : memref<125x80xi32, #tpu.memory_space<vmem>> -> memref<1x80xi32, #tpu.memory_space<vmem>>
        %dma_start3A_61 = tpu.memref_squeeze %dma_start3A_60 : memref<1x80xi32, #tpu.memory_space<vmem>> -> memref<80xi32, #tpu.memory_space<vmem>>
        %dma_start3A_62 = arith.constant 0 : i32
        %dma_start3A_63 = arith.constant 0 : i32
        %dma_start3A_64 = tpu.memref_slice %arg12[%dma_start3A_62, %dma_start3A_63] : memref<10240x128xf32, #tpu.memory_space<vmem_shared>> -> memref<10240x128xf32, #tpu.memory_space<vmem_shared>>
        tpu.enqueue_indirect_dma source(%arg8 : memref<80x128xf32, #tpu.memory_space<vmem>>) target(%dma_start3A_64 : memref<10240x128xf32, #tpu.memory_space<vmem_shared>>) offsets(%dma_start3A_61 : memref<80xi32, #tpu.memory_space<vmem>>) semaphore(%run_scoped3A_58 : memref<!tpu.dma_semaphore, #tpu.memory_space<semaphore_mem>>) {add = true}
        %dma_wait3A_65 = arith.constant 0 : i32
        %dma_wait3A_66 = tpu.memref_slice %arg7[%mul3A_25, %dma_wait3A_65] : memref<125x80xi32, #tpu.memory_space<vmem>> -> memref<1x80xi32, #tpu.memory_space<vmem>>
        %dma_wait3A_67 = tpu.memref_squeeze %dma_wait3A_66 : memref<1x80xi32, #tpu.memory_space<vmem>> -> memref<80xi32, #tpu.memory_space<vmem>>
        %dma_wait3A_68 = arith.constant 0 : i32
        %dma_wait3A_69 = arith.constant 0 : i32
        %dma_wait3A_70 = tpu.memref_slice %arg12[%dma_wait3A_68, %dma_wait3A_69] : memref<10240x128xf32, #tpu.memory_space<vmem_shared>> -> memref<10240x128xf32, #tpu.memory_space<vmem_shared>>
        tpu.wait_indirect_dma semaphore(%run_scoped3A_58 : memref<!tpu.dma_semaphore, #tpu.memory_space<semaphore_mem>>) src(%arg8 : memref<80x128xf32, #tpu.memory_space<vmem>>) dst(%dma_wait3A_70 : memref<10240x128xf32, #tpu.memory_space<vmem_shared>>)
        tpu.yield
      }) : () -> ()
      %add3A_40 = arith.constant 2 : i32
      %add3A_41 = arith.addi %mul3A_25, %add3A_40 : i32
      %mul3A_42 = arith.constant 80 : i32
      %mul3A_43 = arith.muli %add3A_41, %mul3A_42 : i32
      %dma_start3A_44 = tpu.memref_slice %arg6[%mul3A_43] : memref<10000xi32, #tpu.memory_space<vmem>> -> memref<80xi32, #tpu.memory_space<vmem>>
      %dma_start3A_45 = arith.constant 0 : i32
      %dma_start3A_46 = arith.constant 0 : i32
      %dma_start3A_47 = tpu.memref_slice %arg2[%dma_start3A_45, %dma_start3A_46] : memref<10240x128xf32, #tpu.memory_space<hbm>> -> memref<10240x128xf32, #tpu.memory_space<hbm>>
      tpu.enqueue_indirect_dma source(%dma_start3A_47 : memref<10240x128xf32, #tpu.memory_space<hbm>>) target(%arg8 : memref<80x128xf32, #tpu.memory_space<vmem>>) offsets(%dma_start3A_44 : memref<80xi32, #tpu.memory_space<vmem>>) semaphore(%arg10 : memref<!tpu.dma_semaphore, #tpu.memory_space<semaphore_mem>>)
      %add3A_48 = arith.constant 1 : i32
      %add3A_49 = arith.addi %mul3A_25, %add3A_48 : i32
      %mul3A_50 = arith.constant 80 : i32
      %mul3A_51 = arith.muli %add3A_49, %mul3A_50 : i32
      %dma_wait3A_52 = tpu.memref_slice %arg6[%mul3A_51] : memref<10000xi32, #tpu.memory_space<vmem>> -> memref<80xi32, #tpu.memory_space<vmem>>
      %dma_wait3A_53 = arith.constant 0 : i32
      %dma_wait3A_54 = arith.constant 0 : i32
      %dma_wait3A_55 = tpu.memref_slice %arg2[%dma_wait3A_53, %dma_wait3A_54] : memref<10240x128xf32, #tpu.memory_space<hbm>> -> memref<10240x128xf32, #tpu.memory_space<hbm>>
      tpu.wait_indirect_dma semaphore(%arg11 : memref<!tpu.dma_semaphore, #tpu.memory_space<semaphore_mem>>) src(%dma_wait3A_55 : memref<10240x128xf32, #tpu.memory_space<hbm>>) dst(%arg9 : memref<80x128xf32, #tpu.memory_space<vmem>>)
      %add3A_56 = arith.constant 1 : i32
      %add3A_57 = arith.addi %mul3A_25, %add3A_56 : i32
      "tpu.region"() ({
        %run_scoped3A_58 = tpu.sem_alloc : memref<!tpu.dma_semaphore, #tpu.memory_space<semaphore_mem>>
        %dma_start3A_59 = arith.constant 0 : i32
        %dma_start3A_60 = tpu.memref_slice %arg7[%add3A_57, %dma_start3A_59] : memref<125x80xi32, #tpu.memory_space<vmem>> -> memref<1x80xi32, #tpu.memory_space<vmem>>
        %dma_start3A_61 = tpu.memref_squeeze %dma_start3A_60 : memref<1x80xi32, #tpu.memory_space<vmem>> -> memref<80xi32, #tpu.memory_space<vmem>>
        %dma_start3A_62 = arith.constant 0 : i32
        %dma_start3A_63 = arith.constant 0 : i32
        %dma_start3A_64 = tpu.memref_slice %arg12[%dma_start3A_62, %dma_start3A_63] : memref<10240x128xf32, #tpu.memory_space<vmem_shared>> -> memref<10240x128xf32, #tpu.memory_space<vmem_shared>>
        tpu.enqueue_indirect_dma source(%arg9 : memref<80x128xf32, #tpu.memory_space<vmem>>) target(%dma_start3A_64 : memref<10240x128xf32, #tpu.memory_space<vmem_shared>>) offsets(%dma_start3A_61 : memref<80xi32, #tpu.memory_space<vmem>>) semaphore(%run_scoped3A_58 : memref<!tpu.dma_semaphore, #tpu.memory_space<semaphore_mem>>) {add = true}
        %dma_wait3A_65 = arith.constant 0 : i32
        %dma_wait3A_66 = tpu.memref_slice %arg7[%add3A_57, %dma_wait3A_65] : memref<125x80xi32, #tpu.memory_space<vmem>> -> memref<1x80xi32, #tpu.memory_space<vmem>>
        %dma_wait3A_67 = tpu.memref_squeeze %dma_wait3A_66 : memref<1x80xi32, #tpu.memory_space<vmem>> -> memref<80xi32, #tpu.memory_space<vmem>>
        %dma_wait3A_68 = arith.constant 0 : i32
        %dma_wait3A_69 = arith.constant 0 : i32
        %dma_wait3A_70 = tpu.memref_slice %arg12[%dma_wait3A_68, %dma_wait3A_69] : memref<10240x128xf32, #tpu.memory_space<vmem_shared>> -> memref<10240x128xf32, #tpu.memory_space<vmem_shared>>
        tpu.wait_indirect_dma semaphore(%run_scoped3A_58 : memref<!tpu.dma_semaphore, #tpu.memory_space<semaphore_mem>>) src(%arg9 : memref<80x128xf32, #tpu.memory_space<vmem>>) dst(%dma_wait3A_70 : memref<10240x128xf32, #tpu.memory_space<vmem_shared>>)
        tpu.yield
      }) : () -> ()
    }
    %scan3A_13 = arith.constant 62 : i32
    %dma_wait3A = arith.constant 9920 : i32
    %dma_wait3A_14 = tpu.memref_slice %arg6[%dma_wait3A] : memref<10000xi32, #tpu.memory_space<vmem>> -> memref<80xi32, #tpu.memory_space<vmem>>
    %dma_wait3A_15 = arith.constant 0 : i32
    %dma_wait3A_16 = arith.constant 0 : i32
    %dma_wait3A_17 = tpu.memref_slice %arg2[%dma_wait3A_15, %dma_wait3A_16] : memref<10240x128xf32, #tpu.memory_space<hbm>> -> memref<10240x128xf32, #tpu.memory_space<hbm>>
    tpu.wait_indirect_dma semaphore(%arg10 : memref<!tpu.dma_semaphore, #tpu.memory_space<semaphore_mem>>) src(%dma_wait3A_17 : memref<10240x128xf32, #tpu.memory_space<hbm>>) dst(%arg8 : memref<80x128xf32, #tpu.memory_space<vmem>>)
    %run_scoped3A = arith.constant 124 : i32
    "tpu.region"() ({
      %run_scoped3A_23 = tpu.sem_alloc : memref<!tpu.dma_semaphore, #tpu.memory_space<semaphore_mem>>
      %dma_start3A_24 = arith.constant 0 : i32
      %dma_start3A_25 = tpu.memref_slice %arg7[%run_scoped3A, %dma_start3A_24] : memref<125x80xi32, #tpu.memory_space<vmem>> -> memref<1x80xi32, #tpu.memory_space<vmem>>
      %dma_start3A_26 = tpu.memref_squeeze %dma_start3A_25 : memref<1x80xi32, #tpu.memory_space<vmem>> -> memref<80xi32, #tpu.memory_space<vmem>>
      %dma_start3A_27 = arith.constant 0 : i32
      %dma_start3A_28 = arith.constant 0 : i32
      %dma_start3A_29 = tpu.memref_slice %arg12[%dma_start3A_27, %dma_start3A_28] : memref<10240x128xf32, #tpu.memory_space<vmem_shared>> -> memref<10240x128xf32, #tpu.memory_space<vmem_shared>>
      tpu.enqueue_indirect_dma source(%arg8 : memref<80x128xf32, #tpu.memory_space<vmem>>) target(%dma_start3A_29 : memref<10240x128xf32, #tpu.memory_space<vmem_shared>>) offsets(%dma_start3A_26 : memref<80xi32, #tpu.memory_space<vmem>>) semaphore(%run_scoped3A_23 : memref<!tpu.dma_semaphore, #tpu.memory_space<semaphore_mem>>) {add = true}
      %dma_wait3A_30 = arith.constant 0 : i32
      %dma_wait3A_31 = tpu.memref_slice %arg7[%run_scoped3A, %dma_wait3A_30] : memref<125x80xi32, #tpu.memory_space<vmem>> -> memref<1x80xi32, #tpu.memory_space<vmem>>
      %dma_wait3A_32 = tpu.memref_squeeze %dma_wait3A_31 : memref<1x80xi32, #tpu.memory_space<vmem>> -> memref<80xi32, #tpu.memory_space<vmem>>
      %dma_wait3A_33 = arith.constant 0 : i32
      %dma_wait3A_34 = arith.constant 0 : i32
      %dma_wait3A_35 = tpu.memref_slice %arg12[%dma_wait3A_33, %dma_wait3A_34] : memref<10240x128xf32, #tpu.memory_space<vmem_shared>> -> memref<10240x128xf32, #tpu.memory_space<vmem_shared>>
      tpu.wait_indirect_dma semaphore(%run_scoped3A_23 : memref<!tpu.dma_semaphore, #tpu.memory_space<semaphore_mem>>) src(%arg8 : memref<80x128xf32, #tpu.memory_space<vmem>>) dst(%dma_wait3A_35 : memref<10240x128xf32, #tpu.memory_space<vmem_shared>>)
      tpu.yield
    }) : () -> ()
    %barrier3A_18 = arith.constant 0 : index
    tpu.barrier barrier_id(%barrier3A_18)
    %mul3A_19 = arith.constant 640 : i32
    %mul3A_20 = arith.muli %arg1, %mul3A_19 : i32
    %mul3A_21 = arith.constant 640 : i32
    %mul3A_22 = arith.muli %arg1, %mul3A_21 : i32
    "tpu.region"() ({
      %run_scoped3A_23 = tpu.sem_alloc : memref<!tpu.dma_semaphore, #tpu.memory_space<semaphore_mem>>
      %dma_start3A_24 = arith.constant 0 : i32
      %dma_start3A_25 = tpu.memref_slice %arg5[%arg0, %mul3A_22, %dma_start3A_24] : memref<2x10240x128xf32, #tpu.memory_space<hbm>> -> memref<1x640x128xf32, #tpu.memory_space<hbm>>
      %dma_start3A_26 = tpu.memref_squeeze %dma_start3A_25 : memref<1x640x128xf32, #tpu.memory_space<hbm>> -> memref<640x128xf32, #tpu.memory_space<hbm>>
      %dma_start3A_27 = arith.constant 0 : i32
      %dma_start3A_28 = tpu.memref_slice %arg12[%mul3A_20, %dma_start3A_27] : memref<10240x128xf32, #tpu.memory_space<vmem_shared>> -> memref<640x128xf32, #tpu.memory_space<vmem_shared>>
      tpu.enqueue_dma source(%dma_start3A_28 : memref<640x128xf32, #tpu.memory_space<vmem_shared>>) target(%dma_start3A_26 : memref<640x128xf32, #tpu.memory_space<hbm>>) target_semaphore(%run_scoped3A_23 : memref<!tpu.dma_semaphore, #tpu.memory_space<semaphore_mem>>)
      %dma_wait3A_29 = arith.constant 0 : i32
      %dma_wait3A_30 = tpu.memref_slice %arg5[%arg0, %mul3A_22, %dma_wait3A_29] : memref<2x10240x128xf32, #tpu.memory_space<hbm>> -> memref<1x640x128xf32, #tpu.memory_space<hbm>>
      %dma_wait3A_31 = tpu.memref_squeeze %dma_wait3A_30 : memref<1x640x128xf32, #tpu.memory_space<hbm>> -> memref<640x128xf32, #tpu.memory_space<hbm>>
      %dma_wait3A_32 = arith.constant 0 : i32
      %dma_wait3A_33 = tpu.memref_slice %arg12[%mul3A_20, %dma_wait3A_32] : memref<10240x128xf32, #tpu.memory_space<vmem_shared>> -> memref<640x128xf32, #tpu.memory_space<vmem_shared>>
      tpu.wait_dma2 semaphore(%run_scoped3A_23 : memref<!tpu.dma_semaphore, #tpu.memory_space<semaphore_mem>>) src(%dma_wait3A_33 : memref<640x128xf32, #tpu.memory_space<vmem_shared>>) dst(%dma_wait3A_31 : memref<640x128xf32, #tpu.memory_space<hbm>>)
      tpu.yield
    }) : () -> ()
    return
  }
}

#map = affine_map<(d0, d1) -> (0, 0)>
#map1 = affine_map<(d0, d1) -> (0, 0, 0)>
module attributes {stable_mosaic.version = 14 : i64} {
  func.func @_scatter_kernel(%arg0: i32, %arg1: i32, %arg2: memref<10240x128xf32, #tpu.memory_space<hbm>>, %arg3: memref<32x10000xi32, #tpu.memory_space<hbm>>, %arg4: memref<32x125x80xi32, #tpu.memory_space<hbm>>, %arg5: memref<2x10240x128xf32, #tpu.memory_space<hbm>>, %arg6: memref<10000xi32, #tpu.memory_space<vmem>>, %arg7: memref<125x80xi32, #tpu.memory_space<vmem>>, %arg8: memref<80x128xf32, #tpu.memory_space<vmem>>, %arg9: memref<80x128xf32, #tpu.memory_space<vmem>>, %arg10: memref<!tpu.dma_semaphore, #tpu.memory_space<semaphore_mem>>, %arg11: memref<!tpu.dma_semaphore, #tpu.memory_space<semaphore_mem>>, %arg12: memref<10240x128xf32, #tpu.memory_space<vmem_shared>>) attributes {dimension_semantics = [#tpu.dimension_semantics<core_parallel>, #tpu.dimension_semantics<subcore_parallel>], iteration_bounds = array<i64: 2, 16>, scalar_prefetch = 0 : i64, scratch_operands = 7 : i64, tpu.core_type = #tpu.core_type<sc_vector_subcore>, window_params = [{transform_indices = #map}, {transform_indices = #map}, {transform_indices = #map1}, {transform_indices = #map1}]} {
    %mul3A = arith.constant 2 : i32
    %mul3A_0 = arith.muli %arg1, %mul3A : i32
    %add3A = arith.addi %mul3A_0, %arg0 : i32
    "tpu.region"() ({
      %run_scoped3A_23 = tpu.sem_alloc : memref<!tpu.dma_semaphore, #tpu.memory_space<semaphore_mem>>
      %dma_start3A_24 = arith.constant 0 : i32
      %dma_start3A_25 = tpu.memref_slice %arg3[%add3A, %dma_start3A_24] : memref<32x10000xi32, #tpu.memory_space<hbm>> -> memref<1x10000xi32, #tpu.memory_space<hbm>>
      %dma_start3A_26 = tpu.memref_squeeze %dma_start3A_25 : memref<1x10000xi32, #tpu.memory_space<hbm>> -> memref<10000xi32, #tpu.memory_space<hbm>>
      %dma_start3A_27 = arith.constant 0 : i32
      %dma_start3A_28 = tpu.memref_slice %arg3[%add3A, %dma_start3A_27] : memref<32x10000xi32, #tpu.memory_space<hbm>> -> memref<1x10000xi32, #tpu.memory_space<hbm>>
      %dma_start3A_29 = tpu.memref_squeeze %dma_start3A_28 : memref<1x10000xi32, #tpu.memory_space<hbm>> -> memref<10000xi32, #tpu.memory_space<hbm>>
      tpu.enqueue_dma source(%dma_start3A_29 : memref<10000xi32, #tpu.memory_space<hbm>>) target(%arg6 : memref<10000xi32, #tpu.memory_space<vmem>>) target_semaphore(%run_scoped3A_23 : memref<!tpu.dma_semaphore, #tpu.memory_space<semaphore_mem>>)
      %dma_wait3A_30 = arith.constant 0 : i32
      %dma_wait3A_31 = tpu.memref_slice %arg3[%add3A, %dma_wait3A_30] : memref<32x10000xi32, #tpu.memory_space<hbm>> -> memref<1x10000xi32, #tpu.memory_space<hbm>>
      %dma_wait3A_32 = tpu.memref_squeeze %dma_wait3A_31 : memref<1x10000xi32, #tpu.memory_space<hbm>> -> memref<10000xi32, #tpu.memory_space<hbm>>
      %dma_wait3A_33 = arith.constant 0 : i32
      %dma_wait3A_34 = tpu.memref_slice %arg3[%add3A, %dma_wait3A_33] : memref<32x10000xi32, #tpu.memory_space<hbm>> -> memref<1x10000xi32, #tpu.memory_space<hbm>>
      %dma_wait3A_35 = tpu.memref_squeeze %dma_wait3A_34 : memref<1x10000xi32, #tpu.memory_space<hbm>> -> memref<10000xi32, #tpu.memory_space<hbm>>
      tpu.wait_dma2 semaphore(%run_scoped3A_23 : memref<!tpu.dma_semaphore, #tpu.memory_space<semaphore_mem>>) src(%dma_wait3A_35 : memref<10000xi32, #tpu.memory_space<hbm>>) dst(%arg6 : memref<10000xi32, #tpu.memory_space<vmem>>)
      tpu.yield
    }) : () -> ()
    "tpu.region"() ({
      %run_scoped3A_23 = tpu.sem_alloc : memref<!tpu.dma_semaphore, #tpu.memory_space<semaphore_mem>>
      %dma_start3A_24 = arith.constant 0 : i32
      %dma_start3A_25 = arith.constant 0 : i32
      %dma_start3A_26 = tpu.memref_slice %arg4[%add3A, %dma_start3A_24, %dma_start3A_25] : memref<32x125x80xi32, #tpu.memory_space<hbm>> -> memref<1x125x80xi32, #tpu.memory_space<hbm>>
      %dma_start3A_27 = tpu.memref_squeeze %dma_start3A_26 : memref<1x125x80xi32, #tpu.memory_space<hbm>> -> memref<125x80xi32, #tpu.memory_space<hbm>>
      %dma_start3A_28 = arith.constant 0 : i32
      %dma_start3A_29 = arith.constant 0 : i32
      %dma_start3A_30 = tpu.memref_slice %arg4[%add3A, %dma_start3A_28, %dma_start3A_29] : memref<32x125x80xi32, #tpu.memory_space<hbm>> -> memref<1x125x80xi32, #tpu.memory_space<hbm>>
      %dma_start3A_31 = tpu.memref_squeeze %dma_start3A_30 : memref<1x125x80xi32, #tpu.memory_space<hbm>> -> memref<125x80xi32, #tpu.memory_space<hbm>>
      tpu.enqueue_dma source(%dma_start3A_31 : memref<125x80xi32, #tpu.memory_space<hbm>>) target(%arg7 : memref<125x80xi32, #tpu.memory_space<vmem>>) target_semaphore(%run_scoped3A_23 : memref<!tpu.dma_semaphore, #tpu.memory_space<semaphore_mem>>)
      %dma_wait3A_32 = arith.constant 0 : i32
      %dma_wait3A_33 = arith.constant 0 : i32
      %dma_wait3A_34 = tpu.memref_slice %arg4[%add3A, %dma_wait3A_32, %dma_wait3A_33] : memref<32x125x80xi32, #tpu.memory_space<hbm>> -> memref<1x125x80xi32, #tpu.memory_space<hbm>>
      %dma_wait3A_35 = tpu.memref_squeeze %dma_wait3A_34 : memref<1x125x80xi32, #tpu.memory_space<hbm>> -> memref<125x80xi32, #tpu.memory_space<hbm>>
      %dma_wait3A_36 = arith.constant 0 : i32
      %dma_wait3A_37 = arith.constant 0 : i32
      %dma_wait3A_38 = tpu.memref_slice %arg4[%add3A, %dma_wait3A_36, %dma_wait3A_37] : memref<32x125x80xi32, #tpu.memory_space<hbm>> -> memref<1x125x80xi32, #tpu.memory_space<hbm>>
      %dma_wait3A_39 = tpu.memref_squeeze %dma_wait3A_38 : memref<1x125x80xi32, #tpu.memory_space<hbm>> -> memref<125x80xi32, #tpu.memory_space<hbm>>
      tpu.wait_dma2 semaphore(%run_scoped3A_23 : memref<!tpu.dma_semaphore, #tpu.memory_space<semaphore_mem>>) src(%dma_wait3A_39 : memref<125x80xi32, #tpu.memory_space<hbm>>) dst(%arg7 : memref<125x80xi32, #tpu.memory_space<vmem>>)
      tpu.yield
    }) : () -> ()
    %dma_start3A = arith.constant 0 : i32
    %dma_start3A_1 = tpu.memref_slice %arg6[%dma_start3A] : memref<10000xi32, #tpu.memory_space<vmem>> -> memref<80xi32, #tpu.memory_space<vmem>>
    %dma_start3A_2 = arith.constant 0 : i32
    %dma_start3A_3 = arith.constant 0 : i32
    %dma_start3A_4 = tpu.memref_slice %arg2[%dma_start3A_2, %dma_start3A_3] : memref<10240x128xf32, #tpu.memory_space<hbm>> -> memref<10240x128xf32, #tpu.memory_space<hbm>>
    tpu.enqueue_indirect_dma source(%dma_start3A_4 : memref<10240x128xf32, #tpu.memory_space<hbm>>) target(%arg8 : memref<80x128xf32, #tpu.memory_space<vmem>>) offsets(%dma_start3A_1 : memref<80xi32, #tpu.memory_space<vmem>>) semaphore(%arg10 : memref<!tpu.dma_semaphore, #tpu.memory_space<semaphore_mem>>)
    %mul3A_5 = arith.constant 640 : i32
    %mul3A_6 = arith.muli %arg1, %mul3A_5 : i32
    %mul3A_7 = arith.constant 640 : i32
    %mul3A_8 = arith.muli %arg1, %mul3A_7 : i32
    "tpu.region"() ({
      %run_scoped3A_23 = tpu.sem_alloc : memref<!tpu.dma_semaphore, #tpu.memory_space<semaphore_mem>>
      %dma_start3A_24 = arith.constant 0 : i32
      %dma_start3A_25 = tpu.memref_slice %arg12[%mul3A_8, %dma_start3A_24] : memref<10240x128xf32, #tpu.memory_space<vmem_shared>> -> memref<640x128xf32, #tpu.memory_space<vmem_shared>>
      %dma_start3A_26 = arith.constant 0 : i32
      %dma_start3A_27 = tpu.memref_slice %arg2[%mul3A_6, %dma_start3A_26] : memref<10240x128xf32, #tpu.memory_space<hbm>> -> memref<640x128xf32, #tpu.memory_space<hbm>>
      tpu.enqueue_dma source(%dma_start3A_27 : memref<640x128xf32, #tpu.memory_space<hbm>>) target(%dma_start3A_25 : memref<640x128xf32, #tpu.memory_space<vmem_shared>>) target_semaphore(%run_scoped3A_23 : memref<!tpu.dma_semaphore, #tpu.memory_space<semaphore_mem>>)
      %dma_wait3A_28 = arith.constant 0 : i32
      %dma_wait3A_29 = tpu.memref_slice %arg12[%mul3A_8, %dma_wait3A_28] : memref<10240x128xf32, #tpu.memory_space<vmem_shared>> -> memref<640x128xf32, #tpu.memory_space<vmem_shared>>
      %dma_wait3A_30 = arith.constant 0 : i32
      %dma_wait3A_31 = tpu.memref_slice %arg2[%mul3A_6, %dma_wait3A_30] : memref<10240x128xf32, #tpu.memory_space<hbm>> -> memref<640x128xf32, #tpu.memory_space<hbm>>
      tpu.wait_dma2 semaphore(%run_scoped3A_23 : memref<!tpu.dma_semaphore, #tpu.memory_space<semaphore_mem>>) src(%dma_wait3A_31 : memref<640x128xf32, #tpu.memory_space<hbm>>) dst(%dma_wait3A_29 : memref<640x128xf32, #tpu.memory_space<vmem_shared>>)
      tpu.yield
    }) : () -> ()
    %barrier3A = arith.constant 0 : index
    tpu.barrier barrier_id(%barrier3A)
    %scan3A = arith.constant 0 : i32
    %scan3A_9 = arith.constant 0 : i32
    %scan3A_10 = arith.constant 62 : i32
    %scan3A_11 = arith.addi %scan3A_9, %scan3A_10 : i32
    %scan3A_12 = arith.constant 1 : i32
    scf.for %scan3A_23 = %scan3A_9 to %scan3A_11 step %scan3A_12  : i32 {
      %mul3A_24 = arith.constant 2 : i32
      %mul3A_25 = arith.muli %mul3A_24, %scan3A_23 : i32
      %add3A_26 = arith.constant 1 : i32
      %add3A_27 = arith.addi %mul3A_25, %add3A_26 : i32
      %mul3A_28 = arith.constant 80 : i32
      %mul3A_29 = arith.muli %add3A_27, %mul3A_28 : i32
      %dma_start3A_30 = tpu.memref_slice %arg6[%mul3A_29] : memref<10000xi32, #tpu.memory_space<vmem>> -> memref<80xi32, #tpu.memory_space<vmem>>
      %dma_start3A_31 = arith.constant 0 : i32
      %dma_start3A_32 = arith.constant 0 : i32
      %dma_start3A_33 = tpu.memref_slice %arg2[%dma_start3A_31, %dma_start3A_32] : memref<10240x128xf32, #tpu.memory_space<hbm>> -> memref<10240x128xf32, #tpu.memory_space<hbm>>
      tpu.enqueue_indirect_dma source(%dma_start3A_33 : memref<10240x128xf32, #tpu.memory_space<hbm>>) target(%arg9 : memref<80x128xf32, #tpu.memory_space<vmem>>) offsets(%dma_start3A_30 : memref<80xi32, #tpu.memory_space<vmem>>) semaphore(%arg11 : memref<!tpu.dma_semaphore, #tpu.memory_space<semaphore_mem>>)
      %mul3A_34 = arith.constant 80 : i32
      %mul3A_35 = arith.muli %mul3A_25, %mul3A_34 : i32
      %dma_wait3A_36 = tpu.memref_slice %arg6[%mul3A_35] : memref<10000xi32, #tpu.memory_space<vmem>> -> memref<80xi32, #tpu.memory_space<vmem>>
      %dma_wait3A_37 = arith.constant 0 : i32
      %dma_wait3A_38 = arith.constant 0 : i32
      %dma_wait3A_39 = tpu.memref_slice %arg2[%dma_wait3A_37, %dma_wait3A_38] : memref<10240x128xf32, #tpu.memory_space<hbm>> -> memref<10240x128xf32, #tpu.memory_space<hbm>>
      tpu.wait_indirect_dma semaphore(%arg10 : memref<!tpu.dma_semaphore, #tpu.memory_space<semaphore_mem>>) src(%dma_wait3A_39 : memref<10240x128xf32, #tpu.memory_space<hbm>>) dst(%arg8 : memref<80x128xf32, #tpu.memory_space<vmem>>)
      "tpu.region"() ({
        %run_scoped3A_58 = tpu.sem_alloc : memref<!tpu.dma_semaphore, #tpu.memory_space<semaphore_mem>>
        %dma_start3A_59 = arith.constant 0 : i32
        %dma_start3A_60 = tpu.memref_slice %arg7[%mul3A_25, %dma_start3A_59] : memref<125x80xi32, #tpu.memory_space<vmem>> -> memref<1x80xi32, #tpu.memory_space<vmem>>
        %dma_start3A_61 = tpu.memref_squeeze %dma_start3A_60 : memref<1x80xi32, #tpu.memory_space<vmem>> -> memref<80xi32, #tpu.memory_space<vmem>>
        %dma_start3A_62 = arith.constant 0 : i32
        %dma_start3A_63 = arith.constant 0 : i32
        %dma_start3A_64 = tpu.memref_slice %arg12[%dma_start3A_62, %dma_start3A_63] : memref<10240x128xf32, #tpu.memory_space<vmem_shared>> -> memref<10240x128xf32, #tpu.memory_space<vmem_shared>>
        tpu.enqueue_indirect_dma source(%arg8 : memref<80x128xf32, #tpu.memory_space<vmem>>) target(%dma_start3A_64 : memref<10240x128xf32, #tpu.memory_space<vmem_shared>>) offsets(%dma_start3A_61 : memref<80xi32, #tpu.memory_space<vmem>>) semaphore(%run_scoped3A_58 : memref<!tpu.dma_semaphore, #tpu.memory_space<semaphore_mem>>) {add = true}
        %dma_wait3A_65 = arith.constant 0 : i32
        %dma_wait3A_66 = tpu.memref_slice %arg7[%mul3A_25, %dma_wait3A_65] : memref<125x80xi32, #tpu.memory_space<vmem>> -> memref<1x80xi32, #tpu.memory_space<vmem>>
        %dma_wait3A_67 = tpu.memref_squeeze %dma_wait3A_66 : memref<1x80xi32, #tpu.memory_space<vmem>> -> memref<80xi32, #tpu.memory_space<vmem>>
        %dma_wait3A_68 = arith.constant 0 : i32
        %dma_wait3A_69 = arith.constant 0 : i32
        %dma_wait3A_70 = tpu.memref_slice %arg12[%dma_wait3A_68, %dma_wait3A_69] : memref<10240x128xf32, #tpu.memory_space<vmem_shared>> -> memref<10240x128xf32, #tpu.memory_space<vmem_shared>>
        tpu.wait_indirect_dma semaphore(%run_scoped3A_58 : memref<!tpu.dma_semaphore, #tpu.memory_space<semaphore_mem>>) src(%arg8 : memref<80x128xf32, #tpu.memory_space<vmem>>) dst(%dma_wait3A_70 : memref<10240x128xf32, #tpu.memory_space<vmem_shared>>)
        tpu.yield
      }) : () -> ()
      %add3A_40 = arith.constant 2 : i32
      %add3A_41 = arith.addi %mul3A_25, %add3A_40 : i32
      %mul3A_42 = arith.constant 80 : i32
      %mul3A_43 = arith.muli %add3A_41, %mul3A_42 : i32
      %dma_start3A_44 = tpu.memref_slice %arg6[%mul3A_43] : memref<10000xi32, #tpu.memory_space<vmem>> -> memref<80xi32, #tpu.memory_space<vmem>>
      %dma_start3A_45 = arith.constant 0 : i32
      %dma_start3A_46 = arith.constant 0 : i32
      %dma_start3A_47 = tpu.memref_slice %arg2[%dma_start3A_45, %dma_start3A_46] : memref<10240x128xf32, #tpu.memory_space<hbm>> -> memref<10240x128xf32, #tpu.memory_space<hbm>>
      tpu.enqueue_indirect_dma source(%dma_start3A_47 : memref<10240x128xf32, #tpu.memory_space<hbm>>) target(%arg8 : memref<80x128xf32, #tpu.memory_space<vmem>>) offsets(%dma_start3A_44 : memref<80xi32, #tpu.memory_space<vmem>>) semaphore(%arg10 : memref<!tpu.dma_semaphore, #tpu.memory_space<semaphore_mem>>)
      %add3A_48 = arith.constant 1 : i32
      %add3A_49 = arith.addi %mul3A_25, %add3A_48 : i32
      %mul3A_50 = arith.constant 80 : i32
      %mul3A_51 = arith.muli %add3A_49, %mul3A_50 : i32
      %dma_wait3A_52 = tpu.memref_slice %arg6[%mul3A_51] : memref<10000xi32, #tpu.memory_space<vmem>> -> memref<80xi32, #tpu.memory_space<vmem>>
      %dma_wait3A_53 = arith.constant 0 : i32
      %dma_wait3A_54 = arith.constant 0 : i32
      %dma_wait3A_55 = tpu.memref_slice %arg2[%dma_wait3A_53, %dma_wait3A_54] : memref<10240x128xf32, #tpu.memory_space<hbm>> -> memref<10240x128xf32, #tpu.memory_space<hbm>>
      tpu.wait_indirect_dma semaphore(%arg11 : memref<!tpu.dma_semaphore, #tpu.memory_space<semaphore_mem>>) src(%dma_wait3A_55 : memref<10240x128xf32, #tpu.memory_space<hbm>>) dst(%arg9 : memref<80x128xf32, #tpu.memory_space<vmem>>)
      %add3A_56 = arith.constant 1 : i32
      %add3A_57 = arith.addi %mul3A_25, %add3A_56 : i32
      "tpu.region"() ({
        %run_scoped3A_58 = tpu.sem_alloc : memref<!tpu.dma_semaphore, #tpu.memory_space<semaphore_mem>>
        %dma_start3A_59 = arith.constant 0 : i32
        %dma_start3A_60 = tpu.memref_slice %arg7[%add3A_57, %dma_start3A_59] : memref<125x80xi32, #tpu.memory_space<vmem>> -> memref<1x80xi32, #tpu.memory_space<vmem>>
        %dma_start3A_61 = tpu.memref_squeeze %dma_start3A_60 : memref<1x80xi32, #tpu.memory_space<vmem>> -> memref<80xi32, #tpu.memory_space<vmem>>
        %dma_start3A_62 = arith.constant 0 : i32
        %dma_start3A_63 = arith.constant 0 : i32
        %dma_start3A_64 = tpu.memref_slice %arg12[%dma_start3A_62, %dma_start3A_63] : memref<10240x128xf32, #tpu.memory_space<vmem_shared>> -> memref<10240x128xf32, #tpu.memory_space<vmem_shared>>
        tpu.enqueue_indirect_dma source(%arg9 : memref<80x128xf32, #tpu.memory_space<vmem>>) target(%dma_start3A_64 : memref<10240x128xf32, #tpu.memory_space<vmem_shared>>) offsets(%dma_start3A_61 : memref<80xi32, #tpu.memory_space<vmem>>) semaphore(%run_scoped3A_58 : memref<!tpu.dma_semaphore, #tpu.memory_space<semaphore_mem>>) {add = true}
        %dma_wait3A_65 = arith.constant 0 : i32
        %dma_wait3A_66 = tpu.memref_slice %arg7[%add3A_57, %dma_wait3A_65] : memref<125x80xi32, #tpu.memory_space<vmem>> -> memref<1x80xi32, #tpu.memory_space<vmem>>
        %dma_wait3A_67 = tpu.memref_squeeze %dma_wait3A_66 : memref<1x80xi32, #tpu.memory_space<vmem>> -> memref<80xi32, #tpu.memory_space<vmem>>
        %dma_wait3A_68 = arith.constant 0 : i32
        %dma_wait3A_69 = arith.constant 0 : i32
        %dma_wait3A_70 = tpu.memref_slice %arg12[%dma_wait3A_68, %dma_wait3A_69] : memref<10240x128xf32, #tpu.memory_space<vmem_shared>> -> memref<10240x128xf32, #tpu.memory_space<vmem_shared>>
        tpu.wait_indirect_dma semaphore(%run_scoped3A_58 : memref<!tpu.dma_semaphore, #tpu.memory_space<semaphore_mem>>) src(%arg9 : memref<80x128xf32, #tpu.memory_space<vmem>>) dst(%dma_wait3A_70 : memref<10240x128xf32, #tpu.memory_space<vmem_shared>>)
        tpu.yield
      }) : () -> ()
    }
    %scan3A_13 = arith.constant 62 : i32
    %dma_wait3A = arith.constant 9920 : i32
    %dma_wait3A_14 = tpu.memref_slice %arg6[%dma_wait3A] : memref<10000xi32, #tpu.memory_space<vmem>> -> memref<80xi32, #tpu.memory_space<vmem>>
    %dma_wait3A_15 = arith.constant 0 : i32
    %dma_wait3A_16 = arith.constant 0 : i32
    %dma_wait3A_17 = tpu.memref_slice %arg2[%dma_wait3A_15, %dma_wait3A_16] : memref<10240x128xf32, #tpu.memory_space<hbm>> -> memref<10240x128xf32, #tpu.memory_space<hbm>>
    tpu.wait_indirect_dma semaphore(%arg10 : memref<!tpu.dma_semaphore, #tpu.memory_space<semaphore_mem>>) src(%dma_wait3A_17 : memref<10240x128xf32, #tpu.memory_space<hbm>>) dst(%arg8 : memref<80x128xf32, #tpu.memory_space<vmem>>)
    %run_scoped3A = arith.constant 124 : i32
    "tpu.region"() ({
      %run_scoped3A_23 = tpu.sem_alloc : memref<!tpu.dma_semaphore, #tpu.memory_space<semaphore_mem>>
      %dma_start3A_24 = arith.constant 0 : i32
      %dma_start3A_25 = tpu.memref_slice %arg7[%run_scoped3A, %dma_start3A_24] : memref<125x80xi32, #tpu.memory_space<vmem>> -> memref<1x80xi32, #tpu.memory_space<vmem>>
      %dma_start3A_26 = tpu.memref_squeeze %dma_start3A_25 : memref<1x80xi32, #tpu.memory_space<vmem>> -> memref<80xi32, #tpu.memory_space<vmem>>
      %dma_start3A_27 = arith.constant 0 : i32
      %dma_start3A_28 = arith.constant 0 : i32
      %dma_start3A_29 = tpu.memref_slice %arg12[%dma_start3A_27, %dma_start3A_28] : memref<10240x128xf32, #tpu.memory_space<vmem_shared>> -> memref<10240x128xf32, #tpu.memory_space<vmem_shared>>
      tpu.enqueue_indirect_dma source(%arg8 : memref<80x128xf32, #tpu.memory_space<vmem>>) target(%dma_start3A_29 : memref<10240x128xf32, #tpu.memory_space<vmem_shared>>) offsets(%dma_start3A_26 : memref<80xi32, #tpu.memory_space<vmem>>) semaphore(%run_scoped3A_23 : memref<!tpu.dma_semaphore, #tpu.memory_space<semaphore_mem>>) {add = true}
      %dma_wait3A_30 = arith.constant 0 : i32
      %dma_wait3A_31 = tpu.memref_slice %arg7[%run_scoped3A, %dma_wait3A_30] : memref<125x80xi32, #tpu.memory_space<vmem>> -> memref<1x80xi32, #tpu.memory_space<vmem>>
      %dma_wait3A_32 = tpu.memref_squeeze %dma_wait3A_31 : memref<1x80xi32, #tpu.memory_space<vmem>> -> memref<80xi32, #tpu.memory_space<vmem>>
      %dma_wait3A_33 = arith.constant 0 : i32
      %dma_wait3A_34 = arith.constant 0 : i32
      %dma_wait3A_35 = tpu.memref_slice %arg12[%dma_wait3A_33, %dma_wait3A_34] : memref<10240x128xf32, #tpu.memory_space<vmem_shared>> -> memref<10240x128xf32, #tpu.memory_space<vmem_shared>>
      tpu.wait_indirect_dma semaphore(%run_scoped3A_23 : memref<!tpu.dma_semaphore, #tpu.memory_space<semaphore_mem>>) src(%arg8 : memref<80x128xf32, #tpu.memory_space<vmem>>) dst(%dma_wait3A_35 : memref<10240x128xf32, #tpu.memory_space<vmem_shared>>)
      tpu.yield
    }) : () -> ()
    %barrier3A_18 = arith.constant 0 : index
    tpu.barrier barrier_id(%barrier3A_18)
    %mul3A_19 = arith.constant 640 : i32
    %mul3A_20 = arith.muli %arg1, %mul3A_19 : i32
    %mul3A_21 = arith.constant 640 : i32
    %mul3A_22 = arith.muli %arg1, %mul3A_21 : i32
    "tpu.region"() ({
      %run_scoped3A_23 = tpu.sem_alloc : memref<!tpu.dma_semaphore, #tpu.memory_space<semaphore_mem>>
      %dma_start3A_24 = arith.constant 0 : i32
      %dma_start3A_25 = tpu.memref_slice %arg5[%arg0, %mul3A_22, %dma_start3A_24] : memref<2x10240x128xf32, #tpu.memory_space<hbm>> -> memref<1x640x128xf32, #tpu.memory_space<hbm>>
      %dma_start3A_26 = tpu.memref_squeeze %dma_start3A_25 : memref<1x640x128xf32, #tpu.memory_space<hbm>> -> memref<640x128xf32, #tpu.memory_space<hbm>>
      %dma_start3A_27 = arith.constant 0 : i32
      %dma_start3A_28 = tpu.memref_slice %arg12[%mul3A_20, %dma_start3A_27] : memref<10240x128xf32, #tpu.memory_space<vmem_shared>> -> memref<640x128xf32, #tpu.memory_space<vmem_shared>>
      tpu.enqueue_dma source(%dma_start3A_28 : memref<640x128xf32, #tpu.memory_space<vmem_shared>>) target(%dma_start3A_26 : memref<640x128xf32, #tpu.memory_space<hbm>>) target_semaphore(%run_scoped3A_23 : memref<!tpu.dma_semaphore, #tpu.memory_space<semaphore_mem>>)
      %dma_wait3A_29 = arith.constant 0 : i32
      %dma_wait3A_30 = tpu.memref_slice %arg5[%arg0, %mul3A_22, %dma_wait3A_29] : memref<2x10240x128xf32, #tpu.memory_space<hbm>> -> memref<1x640x128xf32, #tpu.memory_space<hbm>>
      %dma_wait3A_31 = tpu.memref_squeeze %dma_wait3A_30 : memref<1x640x128xf32, #tpu.memory_space<hbm>> -> memref<640x128xf32, #tpu.memory_space<hbm>>
      %dma_wait3A_32 = arith.constant 0 : i32
      %dma_wait3A_33 = tpu.memref_slice %arg12[%mul3A_20, %dma_wait3A_32] : memref<10240x128xf32, #tpu.memory_space<vmem_shared>> -> memref<640x128xf32, #tpu.memory_space<vmem_shared>>
      tpu.wait_dma2 semaphore(%run_scoped3A_23 : memref<!tpu.dma_semaphore, #tpu.memory_space<semaphore_mem>>) src(%dma_wait3A_33 : memref<640x128xf32, #tpu.memory_space<vmem_shared>>) dst(%dma_wait3A_31 : memref<640x128xf32, #tpu.memory_space<hbm>>)
      tpu.yield
    }) : () -> ()
    return
  }
}

module attributes {stable_mosaic.version = 14 : i64} {
  func.func @_tc0_body(%arg0: memref<10240x128xf32, #tpu.memory_space<vmem>>, %arg1: memref<128x128xf32, #tpu.memory_space<vmem>>, %arg2: memref<10240x128xf32, #tpu.memory_space<vmem>>) attributes {dimension_semantics = [], scalar_prefetch = 0 : i64, scratch_operands = 0 : i64, tpu.core_type = #tpu.core_type<tc>} {
    %get3A = arith.constant 0 : index
    %get3A_0 = arith.constant 0 : index
    %get3A_1 = vector.load %arg0[%get3A, %get3A_0] : memref<10240x128xf32, #tpu.memory_space<vmem>>, vector<10240x128xf32>
    %get3A_2 = arith.constant 0 : index
    %get3A_3 = arith.constant 0 : index
    %get3A_4 = vector.load %arg1[%get3A_2, %get3A_3] : memref<128x128xf32, #tpu.memory_space<vmem>>, vector<128x128xf32>
    %dot_general3A = arith.constant dense<0.000000e+00> : vector<10240x128xf32>
    %dot_general3A_5 = tpu.matmul %get3A_1, %get3A_4, %dot_general3A {dimension_numbers = #tpu.dot_dimension_numbers<[1], [0], [0], [1], [0, 0, 1, 1], [], []>, transpose_lhs_hint = false} : vector<10240x128xf32>, vector<128x128xf32>, vector<10240x128xf32> -> vector<10240x128xf32>
    %swap3A = arith.constant 0 : index
    %swap3A_6 = arith.constant 0 : index
    %swap3A_7 = vector.load %arg2[%swap3A, %swap3A_6] : memref<10240x128xf32, #tpu.memory_space<vmem>>, vector<10240x128xf32>
    tpu.vector_store %arg2[%swap3A, %swap3A_6], %dot_general3A_5 {strides = array<i32>} : memref<10240x128xf32, #tpu.memory_space<vmem>>, vector<10240x128xf32>,
    return
  }
}

module attributes {stable_mosaic.version = 14 : i64} {
  func.func @_tc1_body(%arg0: memref<10240x2xf32, #tpu.memory_space<vmem>>, %arg1: memref<10240x128xf32, #tpu.memory_space<vmem>>, %arg2: memref<10240x128xf32, #tpu.memory_space<vmem>>) attributes {dimension_semantics = [], scalar_prefetch = 0 : i64, scratch_operands = 0 : i64, tpu.core_type = #tpu.core_type<tc>} {
    %get3A = arith.constant 0 : index
    %get3A_0 = arith.constant 0 : index
    %get3A_1 = vector.load %arg1[%get3A, %get3A_0] : memref<10240x128xf32, #tpu.memory_space<vmem>>, vector<10240x128xf32>
    %get3A_2 = arith.constant 0 : index
    %get3A_3 = arith.constant 0 : index
    %get3A_4 = vector.load %arg0[%get3A_2, %get3A_3] : memref<10240x2xf32, #tpu.memory_space<vmem>>, vector<10240x1xf32>
    %get3A_5 = arith.constant 0 : index
    %get3A_6 = arith.constant 1 : index
    %get3A_7 = vector.load %arg0[%get3A_5, %get3A_6] : memref<10240x2xf32, #tpu.memory_space<vmem>>, vector<10240x1xf32>
    %add3A = arith.addf %get3A_4, %get3A_7 : vector<10240x1xf32>
    %add3A_8 = arith.constant 1.000000e+00 : f32
    %add3A_9 = vector.broadcast %add3A_8 : f32 to vector<10240x1xf32>
    %add3A_10 = arith.addf %add3A, %add3A_9 : vector<10240x1xf32>
    %rsqrt3A = math.rsqrt %add3A_10 : vector<10240x1xf32>
    %mul3A = vector.broadcast %rsqrt3A : vector<10240x1xf32> to vector<10240x128xf32>
    %mul3A_11 = arith.mulf %get3A_1, %mul3A : vector<10240x128xf32>
    %swap3A = arith.constant 0 : index
    %swap3A_12 = arith.constant 0 : index
    %swap3A_13 = vector.load %arg2[%swap3A, %swap3A_12] : memref<10240x128xf32, #tpu.memory_space<vmem>>, vector<10240x128xf32>
    tpu.vector_store %arg2[%swap3A, %swap3A_12], %mul3A_11 {strides = array<i32>} : memref<10240x128xf32, #tpu.memory_space<vmem>>, vector<10240x128xf32>,
    return
  }
}

module attributes {stable_mosaic.version = 14 : i64} {
  func.func @_tc2_body(%arg0: memref<2x10240x128xf32, #tpu.memory_space<vmem>>, %arg1: memref<10240x128xf32, #tpu.memory_space<vmem>>, %arg2: memref<10240x2xf32, #tpu.memory_space<vmem>>, %arg3: memref<128x128xf32, #tpu.memory_space<vmem>>, %arg4: memref<10240x128xf32, #tpu.memory_space<vmem>>) attributes {dimension_semantics = [], scalar_prefetch = 0 : i64, scratch_operands = 0 : i64, tpu.core_type = #tpu.core_type<tc>} {
    %get3A = arith.constant 0 : index
    %get3A_0 = arith.constant 0 : index
    %get3A_1 = vector.load %arg2[%get3A, %get3A_0] : memref<10240x2xf32, #tpu.memory_space<vmem>>, vector<10240x1xf32>
    %get3A_2 = arith.constant 0 : index
    %get3A_3 = arith.constant 1 : index
    %get3A_4 = vector.load %arg2[%get3A_2, %get3A_3] : memref<10240x2xf32, #tpu.memory_space<vmem>>, vector<10240x1xf32>
    %add3A = arith.addf %get3A_1, %get3A_4 : vector<10240x1xf32>
    %add3A_5 = arith.constant 1.000000e+00 : f32
    %add3A_6 = vector.broadcast %add3A_5 : f32 to vector<10240x1xf32>
    %add3A_7 = arith.addf %add3A, %add3A_6 : vector<10240x1xf32>
    %rsqrt3A = math.rsqrt %add3A_7 : vector<10240x1xf32>
    %get3A_8 = arith.constant 0 : index
    %get3A_9 = arith.constant 0 : index
    %get3A_10 = arith.constant 0 : index
    %get3A_11 = vector.load %arg0[%get3A_8, %get3A_9, %get3A_10] : memref<2x10240x128xf32, #tpu.memory_space<vmem>>, vector<1x10240x128xf32>
    %get3A_12 = vector.shape_cast %get3A_11 : vector<1x10240x128xf32> to vector<10240x128xf32>
    %get3A_13 = arith.constant 1 : index
    %get3A_14 = arith.constant 0 : index
    %get3A_15 = arith.constant 0 : index
    %get3A_16 = vector.load %arg0[%get3A_13, %get3A_14, %get3A_15] : memref<2x10240x128xf32, #tpu.memory_space<vmem>>, vector<1x10240x128xf32>
    %get3A_17 = vector.shape_cast %get3A_16 : vector<1x10240x128xf32> to vector<10240x128xf32>
    %add3A_18 = arith.addf %get3A_12, %get3A_17 : vector<10240x128xf32>
    %get3A_19 = arith.constant 0 : index
    %get3A_20 = arith.constant 0 : index
    %get3A_21 = vector.load %arg1[%get3A_19, %get3A_20] : memref<10240x128xf32, #tpu.memory_space<vmem>>, vector<10240x128xf32>
    %sub3A = arith.subf %add3A_18, %get3A_21 : vector<10240x128xf32>
    %mul3A = vector.broadcast %rsqrt3A : vector<10240x1xf32> to vector<10240x128xf32>
    %mul3A_22 = arith.mulf %mul3A, %sub3A : vector<10240x128xf32>
    %gt3A = arith.constant 0.000000e+00 : f32
    %gt3A_23 = vector.broadcast %gt3A : f32 to vector<10240x128xf32>
    %gt3A_24 = arith.cmpf ogt, %mul3A_22, %gt3A_23 : vector<10240x128xf32>
    %exp3A = math.exp %mul3A_22 : vector<10240x128xf32>
    %sub3A_25 = arith.constant 1.000000e+00 : f32
    %sub3A_26 = vector.broadcast %sub3A_25 : f32 to vector<10240x128xf32>
    %sub3A_27 = arith.subf %exp3A, %sub3A_26 : vector<10240x128xf32>
    %select_n3A = arith.select %gt3A_24, %mul3A_22, %sub3A_27 : vector<10240x128xi1>, vector<10240x128xf32>
    %get3A_28 = arith.constant 0 : index
    %get3A_29 = arith.constant 0 : index
    %get3A_30 = vector.load %arg3[%get3A_28, %get3A_29] : memref<128x128xf32, #tpu.memory_space<vmem>>, vector<128x128xf32>
    %dot_general3A = arith.constant dense<0.000000e+00> : vector<10240x128xf32>
    %dot_general3A_31 = tpu.matmul %select_n3A, %get3A_30, %dot_general3A {dimension_numbers = #tpu.dot_dimension_numbers<[1], [0], [0], [1], [0, 0, 1, 1], [], []>, transpose_lhs_hint = false} : vector<10240x128xf32>, vector<128x128xf32>, vector<10240x128xf32> -> vector<10240x128xf32>
    %mul3A_32 = vector.broadcast %rsqrt3A : vector<10240x1xf32> to vector<10240x128xf32>
    %mul3A_33 = arith.mulf %dot_general3A_31, %mul3A_32 : vector<10240x128xf32>
    %swap3A = arith.constant 0 : index
    %swap3A_34 = arith.constant 0 : index
    %swap3A_35 = vector.load %arg4[%swap3A, %swap3A_34] : memref<10240x128xf32, #tpu.memory_space<vmem>>, vector<10240x128xf32>
    tpu.vector_store %arg4[%swap3A, %swap3A_34], %mul3A_33 {strides = array<i32>} : memref<10240x128xf32, #tpu.memory_space<vmem>>, vector<10240x128xf32>,
    return
  }
}

module attributes {stable_mosaic.version = 14 : i64} {
  func.func @_tc3_body(%arg0: memref<2x10240x128xf32, #tpu.memory_space<vmem>>, %arg1: memref<10240x128xf32, #tpu.memory_space<vmem>>, %arg2: memref<10240x2xf32, #tpu.memory_space<vmem>>, %arg3: memref<128x64xf32, #tpu.memory_space<vmem>>, %arg4: memref<1x64xf32, #tpu.memory_space<vmem>>, %arg5: memref<64x128xf32, #tpu.memory_space<vmem>>, %arg6: memref<1x128xf32, #tpu.memory_space<vmem>>, %arg7: memref<128x64xf32, #tpu.memory_space<vmem>>, %arg8: memref<1x64xf32, #tpu.memory_space<vmem>>, %arg9: memref<64x128xf32, #tpu.memory_space<vmem>>, %arg10: memref<1x128xf32, #tpu.memory_space<vmem>>, %arg11: memref<10240x128xf32, #tpu.memory_space<vmem>>, %arg12: memref<10240x128xf32, #tpu.memory_space<vmem>>) attributes {dimension_semantics = [], scalar_prefetch = 0 : i64, scratch_operands = 0 : i64, tpu.core_type = #tpu.core_type<tc>} {
    %get3A = arith.constant 0 : index
    %get3A_0 = arith.constant 0 : index
    %get3A_1 = vector.load %arg2[%get3A, %get3A_0] : memref<10240x2xf32, #tpu.memory_space<vmem>>, vector<10240x1xf32>
    %get3A_2 = arith.constant 0 : index
    %get3A_3 = arith.constant 1 : index
    %get3A_4 = vector.load %arg2[%get3A_2, %get3A_3] : memref<10240x2xf32, #tpu.memory_space<vmem>>, vector<10240x1xf32>
    %add3A = arith.addf %get3A_1, %get3A_4 : vector<10240x1xf32>
    %add3A_5 = arith.constant 1.000000e+00 : f32
    %add3A_6 = vector.broadcast %add3A_5 : f32 to vector<10240x1xf32>
    %add3A_7 = arith.addf %add3A, %add3A_6 : vector<10240x1xf32>
    %rsqrt3A = math.rsqrt %add3A_7 : vector<10240x1xf32>
    %get3A_8 = arith.constant 0 : index
    %get3A_9 = arith.constant 0 : index
    %get3A_10 = arith.constant 0 : index
    %get3A_11 = vector.load %arg0[%get3A_8, %get3A_9, %get3A_10] : memref<2x10240x128xf32, #tpu.memory_space<vmem>>, vector<1x10240x128xf32>
    %get3A_12 = vector.shape_cast %get3A_11 : vector<1x10240x128xf32> to vector<10240x128xf32>
    %get3A_13 = arith.constant 1 : index
    %get3A_14 = arith.constant 0 : index
    %get3A_15 = arith.constant 0 : index
    %get3A_16 = vector.load %arg0[%get3A_13, %get3A_14, %get3A_15] : memref<2x10240x128xf32, #tpu.memory_space<vmem>>, vector<1x10240x128xf32>
    %get3A_17 = vector.shape_cast %get3A_16 : vector<1x10240x128xf32> to vector<10240x128xf32>
    %add3A_18 = arith.addf %get3A_12, %get3A_17 : vector<10240x128xf32>
    %get3A_19 = arith.constant 0 : index
    %get3A_20 = arith.constant 0 : index
    %get3A_21 = vector.load %arg1[%get3A_19, %get3A_20] : memref<10240x128xf32, #tpu.memory_space<vmem>>, vector<10240x128xf32>
    %sub3A = arith.subf %add3A_18, %get3A_21 : vector<10240x128xf32>
    %mul3A = vector.broadcast %rsqrt3A : vector<10240x1xf32> to vector<10240x128xf32>
    %mul3A_22 = arith.mulf %mul3A, %sub3A : vector<10240x128xf32>
    %get3A_23 = arith.constant 0 : index
    %get3A_24 = arith.constant 0 : index
    %get3A_25 = vector.load %arg3[%get3A_23, %get3A_24] : memref<128x64xf32, #tpu.memory_space<vmem>>, vector<128x64xf32>
    %dot_general3A = arith.constant dense<0.000000e+00> : vector<10240x64xf32>
    %dot_general3A_26 = tpu.matmul %mul3A_22, %get3A_25, %dot_general3A {dimension_numbers = #tpu.dot_dimension_numbers<[1], [0], [0], [1], [0, 0, 1, 1], [], []>, transpose_lhs_hint = false} : vector<10240x128xf32>, vector<128x64xf32>, vector<10240x64xf32> -> vector<10240x64xf32>
    %get3A_27 = arith.constant 0 : index
    %get3A_28 = arith.constant 0 : index
    %get3A_29 = vector.load %arg4[%get3A_27, %get3A_28] : memref<1x64xf32, #tpu.memory_space<vmem>>, vector<1x64xf32>
    %add3A_30 = vector.broadcast %get3A_29 : vector<1x64xf32> to vector<10240x64xf32>
    %add3A_31 = arith.addf %dot_general3A_26, %add3A_30 : vector<10240x64xf32>
    %gt3A = arith.constant 0.000000e+00 : f32
    %gt3A_32 = vector.broadcast %gt3A : f32 to vector<10240x64xf32>
    %gt3A_33 = arith.cmpf ogt, %add3A_31, %gt3A_32 : vector<10240x64xf32>
    %mul3A_34 = arith.constant 0.00999999977 : f32
    %mul3A_35 = vector.broadcast %mul3A_34 : f32 to vector<10240x64xf32>
    %mul3A_36 = arith.mulf %mul3A_35, %add3A_31 : vector<10240x64xf32>
    %select_n3A = arith.select %gt3A_33, %add3A_31, %mul3A_36 : vector<10240x64xi1>, vector<10240x64xf32>
    %get3A_37 = arith.constant 0 : index
    %get3A_38 = arith.constant 0 : index
    %get3A_39 = vector.load %arg5[%get3A_37, %get3A_38] : memref<64x128xf32, #tpu.memory_space<vmem>>, vector<64x128xf32>
    %dot_general3A_40 = arith.constant dense<0.000000e+00> : vector<10240x128xf32>
    %dot_general3A_41 = tpu.matmul %select_n3A, %get3A_39, %dot_general3A_40 {dimension_numbers = #tpu.dot_dimension_numbers<[1], [0], [0], [1], [0, 0, 1, 1], [], []>, transpose_lhs_hint = false} : vector<10240x64xf32>, vector<64x128xf32>, vector<10240x128xf32> -> vector<10240x128xf32>
    %get3A_42 = arith.constant 0 : index
    %get3A_43 = arith.constant 0 : index
    %get3A_44 = vector.load %arg6[%get3A_42, %get3A_43] : memref<1x128xf32, #tpu.memory_space<vmem>>, vector<1x128xf32>
    %add3A_45 = vector.broadcast %get3A_44 : vector<1x128xf32> to vector<10240x128xf32>
    %add3A_46 = arith.addf %dot_general3A_41, %add3A_45 : vector<10240x128xf32>
    %gt3A_47 = arith.constant 0.000000e+00 : f32
    %gt3A_48 = vector.broadcast %gt3A_47 : f32 to vector<10240x128xf32>
    %gt3A_49 = arith.cmpf ogt, %add3A_46, %gt3A_48 : vector<10240x128xf32>
    %mul3A_50 = arith.constant 0.00999999977 : f32
    %mul3A_51 = vector.broadcast %mul3A_50 : f32 to vector<10240x128xf32>
    %mul3A_52 = arith.mulf %mul3A_51, %add3A_46 : vector<10240x128xf32>
    %select_n3A_53 = arith.select %gt3A_49, %add3A_46, %mul3A_52 : vector<10240x128xi1>, vector<10240x128xf32>
    %swap3A = arith.constant 0 : index
    %swap3A_54 = arith.constant 0 : index
    %swap3A_55 = vector.load %arg11[%swap3A, %swap3A_54] : memref<10240x128xf32, #tpu.memory_space<vmem>>, vector<10240x128xf32>
    tpu.vector_store %arg11[%swap3A, %swap3A_54], %select_n3A_53 {strides = array<i32>} : memref<10240x128xf32, #tpu.memory_space<vmem>>, vector<10240x128xf32>,
    %get3A_56 = arith.constant 0 : index
    %get3A_57 = arith.constant 0 : index
    %get3A_58 = vector.load %arg7[%get3A_56, %get3A_57] : memref<128x64xf32, #tpu.memory_space<vmem>>, vector<128x64xf32>
    %dot_general3A_59 = arith.constant dense<0.000000e+00> : vector<10240x64xf32>
    %dot_general3A_60 = tpu.matmul %mul3A_22, %get3A_58, %dot_general3A_59 {dimension_numbers = #tpu.dot_dimension_numbers<[1], [0], [0], [1], [0, 0, 1, 1], [], []>, transpose_lhs_hint = false} : vector<10240x128xf32>, vector<128x64xf32>, vector<10240x64xf32> -> vector<10240x64xf32>
    %get3A_61 = arith.constant 0 : index
    %get3A_62 = arith.constant 0 : index
    %get3A_63 = vector.load %arg8[%get3A_61, %get3A_62] : memref<1x64xf32, #tpu.memory_space<vmem>>, vector<1x64xf32>
    %add3A_64 = vector.broadcast %get3A_63 : vector<1x64xf32> to vector<10240x64xf32>
    %add3A_65 = arith.addf %dot_general3A_60, %add3A_64 : vector<10240x64xf32>
    %gt3A_66 = arith.constant 0.000000e+00 : f32
    %gt3A_67 = vector.broadcast %gt3A_66 : f32 to vector<10240x64xf32>
    %gt3A_68 = arith.cmpf ogt, %add3A_65, %gt3A_67 : vector<10240x64xf32>
    %mul3A_69 = arith.constant 0.00999999977 : f32
    %mul3A_70 = vector.broadcast %mul3A_69 : f32 to vector<10240x64xf32>
    %mul3A_71 = arith.mulf %mul3A_70, %add3A_65 : vector<10240x64xf32>
    %select_n3A_72 = arith.select %gt3A_68, %add3A_65, %mul3A_71 : vector<10240x64xi1>, vector<10240x64xf32>
    %get3A_73 = arith.constant 0 : index
    %get3A_74 = arith.constant 0 : index
    %get3A_75 = vector.load %arg9[%get3A_73, %get3A_74] : memref<64x128xf32, #tpu.memory_space<vmem>>, vector<64x128xf32>
    %dot_general3A_76 = arith.constant dense<0.000000e+00> : vector<10240x128xf32>
    %dot_general3A_77 = tpu.matmul %select_n3A_72, %get3A_75, %dot_general3A_76 {dimension_numbers = #tpu.dot_dimension_numbers<[1], [0], [0], [1], [0, 0, 1, 1], [], []>, transpose_lhs_hint = false} : vector<10240x64xf32>, vector<64x128xf32>, vector<10240x128xf32> -> vector<10240x128xf32>
    %get3A_78 = arith.constant 0 : index
    %get3A_79 = arith.constant 0 : index
    %get3A_80 = vector.load %arg10[%get3A_78, %get3A_79] : memref<1x128xf32, #tpu.memory_space<vmem>>, vector<1x128xf32>
    %add3A_81 = vector.broadcast %get3A_80 : vector<1x128xf32> to vector<10240x128xf32>
    %add3A_82 = arith.addf %dot_general3A_77, %add3A_81 : vector<10240x128xf32>
    %gt3A_83 = arith.constant 0.000000e+00 : f32
    %gt3A_84 = vector.broadcast %gt3A_83 : f32 to vector<10240x128xf32>
    %gt3A_85 = arith.cmpf ogt, %add3A_82, %gt3A_84 : vector<10240x128xf32>
    %mul3A_86 = arith.constant 0.00999999977 : f32
    %mul3A_87 = vector.broadcast %mul3A_86 : f32 to vector<10240x128xf32>
    %mul3A_88 = arith.mulf %mul3A_87, %add3A_82 : vector<10240x128xf32>
    %select_n3A_89 = arith.select %gt3A_85, %add3A_82, %mul3A_88 : vector<10240x128xi1>, vector<10240x128xf32>
    %swap3A_90 = arith.constant 0 : index
    %swap3A_91 = arith.constant 0 : index
    %swap3A_92 = vector.load %arg12[%swap3A_90, %swap3A_91] : memref<10240x128xf32, #tpu.memory_space<vmem>>, vector<10240x128xf32>
    tpu.vector_store %arg12[%swap3A_90, %swap3A_91], %select_n3A_89 {strides = array<i32>} : memref<10240x128xf32, #tpu.memory_space<vmem>>, vector<10240x128xf32>,
    return
  }
}

module attributes {stable_mosaic.version = 14 : i64} {
  func.func @_tc4_body(%arg0: memref<8192x128xf32, #tpu.memory_space<vmem>>, %arg1: memref<8192x128xf32, #tpu.memory_space<vmem>>, %arg2: memref<8192x1xf32, #tpu.memory_space<vmem>>) attributes {dimension_semantics = [], scalar_prefetch = 0 : i64, scratch_operands = 0 : i64, tpu.core_type = #tpu.core_type<tc>} {
    %get3A = arith.constant 0 : index
    %get3A_0 = arith.constant 0 : index
    %get3A_1 = vector.load %arg0[%get3A, %get3A_0] : memref<8192x128xf32, #tpu.memory_space<vmem>>, vector<8192x128xf32>
    %get3A_2 = arith.constant 0 : index
    %get3A_3 = arith.constant 0 : index
    %get3A_4 = vector.load %arg1[%get3A_2, %get3A_3] : memref<8192x128xf32, #tpu.memory_space<vmem>>, vector<8192x128xf32>
    %mul3A = arith.mulf %get3A_1, %get3A_4 : vector<8192x128xf32>
    %reduce_sum3A = arith.constant dense<0.000000e+00> : vector<8192xf32>
    %reduce_sum3A_5 = vector.multi_reduction <add>, %mul3A, %reduce_sum3A [1] : vector<8192x128xf32> to vector<8192xf32>
    %broadcast_in_dim3A = vector.shape_cast %reduce_sum3A_5 : vector<8192xf32> to vector<8192x1xf32>
    %swap3A = arith.constant 0 : index
    %swap3A_6 = arith.constant 0 : index
    %swap3A_7 = vector.load %arg2[%swap3A, %swap3A_6] : memref<8192x1xf32, #tpu.memory_space<vmem>>, vector<8192x1xf32>
    tpu.vector_store %arg2[%swap3A, %swap3A_6], %broadcast_in_dim3A {strides = array<i32>} : memref<8192x1xf32, #tpu.memory_space<vmem>>, vector<8192x1xf32>,
    return
  }
}

</mosaic_0001>

<sc_bundles>
// kernel: kernel.11.cloned.1.call-start
scs
__scs_entry_jumppad:
0x0: {  	(pc) =	sbr.rel $0x88, $3  }
0x1: {  	(tag) =	ssettag $0x0;
	lr =	simm.s32 $0x1  }
0x2: {  	[smem:$0x3F94] =	sst lr;
	_ =	strace $0xD0000000  }
0x3: {  	_ = 	snop  }
0x4: {  	_ = 	snop  }
0x5: {  	_ = 	snop  }
0x6: {  	_ = 	snop  }
0x7: {  	_ = 	snop  }
__scs_overlays_trampoline_lowered:
0x8: {  	[smem:$0x3FA3] =	sst s0  }
0x9: {  	[smem:$0x3FA4] =	sst s1  }
0xa: {  	[smem:$0x3FA5] =	sst s2  }
0xb: {  	[smem:$0x3FA6] =	sst s3  }
0xc: {  	[smem:$0x3FA7] =	sst s4  }
0xd: {  	[smem:$0x3FA8] =	sst s5  }
0xe: {  	[smem:$0x3FA9] =	sst s6  }
0xf: {  	[smem:$0x3FAA] =	sst s7  }
0x10: {  	[smem:$0x3FAB] =	sst s8  }
0x11: {  	[smem:$0x3FAC] =	sst s9;
	s0 =	simm.s32 @!p0 $0x0  }
0x12: {  	s1 =	sld [smem:$0x3F92];
	s0 =	simm.s32 @p0 $0x1  }
0x13: {  	[smem:$0x3FAD] =	sst s0;
	s0 =	simm.s32 @!p1 $0x0  }
0x14: {  	s2 =	sld [smem:$0x3F91];
	s0 =	simm.s32 @p1 $0x1  }
0x15: {  	[smem:$0x3FAE] =	sst s0;
	s0 =	simm.s32 @!p2 $0x0  }
0x16: {  	s3 =	sld [smem:$0x3FDB];
	s0 =	simm.s32 @p2 $0x1  }
0x17: {  	s4 =	simm.s32 $0x1BF5;
	[smem:$0x3FB0] =	sst s0  }
0x18: {  	s0 =	sld [smem:$0x3F93];
	_ =	swait.ge [sflag:s4], $0x0  }
0x19: {  	s7 =	sld [smem:$0x3F94]  }
0x1a: {  	s8 =	sadd.s32 $0xFFFFE003, lr  }
0x1b: {  	s9 =	sadd.s32 $0xFFFFFEF7, lr;
	s5 =	simm.s32 $0xFFFFFFFF;
	p2 =	slt.u32 s8, $0xFFFFF086  }
0x1c: {  	p1 =	slt.u32 s9, $0xF7A;
	s5 =	simm.s32 @!p2 $0x0  }
0x1d: {  	s5 =	simm.s32 @p1 $0x1;
	p0 =	seq.s32 s7, s2  }
0x1e: {  	s7 =	smul.u32 @!p0 $0xF7A, s2;
	p2 =	seq.s32 @!p0 s5, $0x0  }
0x1f: {  	s9 =	smul.u32 $0xF7A, s1;
	s8 =	simm.s32 @!p0 $0x1BF5;
	p2 =	por !p2, p0  }
0x20: {  	[sflag:s8] =	ssyncset.s32 @!p0 $0xFFFFF086;
	s6 =	sadd.s32 @!p0 s3, s7;
	s7 =	simm.s32 @!p0 $0x108  }
0x21: {  	s3 =	sadd.s32 s3, s9;
	s6 =	sadd.s32 @!p0 $0x88, s6;
	s7 =	simm.s32 @p2 $0x1082  }
0x22: {  	[simem:s7], [sflag:s8] =	dma.local @!p0 [hbm:s6], $0xF7A  }
0x23: {  	s9 =	sor.u32 $0xD0000000, s2;
	s6 =	simm.s32 $0x108;
	_ =	swait.ge @!p0 [sflag:s8], $0x0  }
0x24: {  	s3 =	sadd.s32 $0x88, s3;
	s6 =	simm.s32 @!p1 $0x1082;
	[sflag:s4] =	ssyncset.s32 $0xFFFFF086  }
0x25: {  	[simem:s6], [sflag:s4] =	dma.local [hbm:s3], $0xF7A  }
0x26: {  	[smem:$0x3F94] =	sst s1;
	(tag) =	ssettag s2;
	_ =	strace s9  }
0x27: {  	s1 =	sld [smem:$0x3FA4]  }
0x28: {  	s2 =	sld [smem:$0x3FA5]  }
0x29: {  	s4 =	sld [smem:$0x3FA7]  }
0x2a: {  	p0 =	seq.s32 s5, $0x0;
	s5 =	sld [smem:$0x3FA8]  }
0x2b: {  	s6 =	sld [smem:$0x3FA9]  }
0x2c: {  	s7 =	sld [smem:$0x3FAA]  }
0x2d: {  	s3 =	simm.s32 $0x108;
	s8 =	sld [smem:$0x3FAB]  }
0x2e: {  	s3 =	simm.s32 @!p0 $0x1082;
	s9 =	sld [smem:$0x3FAC]  }
0x2f: {  	lr =	sadd.s32 s0, s3;
	s0 =	sld [smem:$0x3FA3]  }
0x30: {  	s3 =	sld [smem:$0x3FA6]  }
0x31: {  	[smem:$0x3FAF] =	sst s10  }
0x32: {  	s10 =	sld [smem:$0x3FAD];
	_ =	sdelay $0x3  }
0x33: {  	p0 =	seq.s32 s10, $0x1;
	s10 =	sld [smem:$0x3FAF];
	_ =	sdelay $0x3  }
0x34: {  	[smem:$0x3FAF] =	sst s10  }
0x35: {  	s10 =	sld [smem:$0x3FAE];
	_ =	sdelay $0x3  }
0x36: {  	p1 =	seq.s32 s10, $0x1;
	s10 =	sld [smem:$0x3FAF];
	_ =	sdelay $0x3  }
0x37: {  	[smem:$0x3FAF] =	sst s10  }
0x38: {  	s10 =	sld [smem:$0x3FB0]  }
0x39: {  	_ = 	snop;
	(pc) =	sbr.ind lr, $3  }
0x3a: {  	_ = 	snop  }
0x3b: {  	_ = 	snop  }
0x3c: {  	p2 =	seq.s32 s10, $0x1;
	s10 =	sld [smem:$0x3FAF]  }
0x3d: {  	_ =	shalt  }
0x3e: {  	_ =	shalt  }
0x3f: {  	_ =	shalt  }
0x40: {  	_ =	shalt  }
0x41: {  	_ =	shalt  }
0x42: {  	_ =	shalt  }
0x43: {  	_ =	shalt  }
0x44: {  	_ =	shalt  }
0x45: {  	_ =	shalt  }
0x46: {  	_ =	shalt  }
0x47: {  	_ =	shalt  }
0x48: {  	_ =	shalt  }
0x49: {  	_ =	shalt  }
0x4a: {  	_ =	shalt  }
0x4b: {  	_ =	shalt  }
0x4c: {  	_ =	shalt  }
0x4d: {  	_ =	shalt  }
0x4e: {  	_ =	shalt  }
0x4f: {  	_ =	shalt  }
0x50: {  	_ =	shalt  }
0x51: {  	_ =	shalt  }
0x52: {  	_ =	shalt  }
0x53: {  	_ =	shalt  }
0x54: {  	_ =	shalt  }
0x55: {  	_ =	shalt  }
0x56: {  	_ =	shalt  }
0x57: {  	_ =	shalt  }
0x58: {  	_ =	shalt  }
0x59: {  	_ =	shalt  }
0x5a: {  	_ =	shalt  }
0x5b: {  	_ =	shalt  }
0x5c: {  	_ =	shalt  }
0x5d: {  	_ =	shalt  }
0x5e: {  	_ =	shalt  }
0x5f: {  	_ =	shalt  }
0x60: {  	_ =	shalt  }
0x61: {  	_ =	shalt  }
0x62: {  	_ =	shalt  }
0x63: {  	_ =	shalt  }
0x64: {  	_ =	shalt  }
0x65: {  	_ =	shalt  }
0x66: {  	_ =	shalt  }
0x67: {  	_ =	shalt  }
0x68: {  	_ =	shalt  }
0x69: {  	_ =	shalt  }
0x6a: {  	_ =	shalt  }
0x6b: {  	_ =	shalt  }
0x6c: {  	_ =	shalt  }
0x6d: {  	_ =	shalt  }
0x6e: {  	_ =	shalt  }
0x6f: {  	_ =	shalt  }
0x70: {  	_ =	shalt  }
0x71: {  	_ =	shalt  }
0x72: {  	_ =	shalt  }
0x73: {  	_ =	shalt  }
0x74: {  	_ =	shalt  }
0x75: {  	_ =	shalt  }
0x76: {  	_ =	shalt  }
0x77: {  	_ =	shalt  }
0x78: {  	_ =	shalt  }
0x79: {  	_ =	shalt  }
0x7a: {  	_ =	shalt  }
0x7b: {  	_ =	shalt  }
0x7c: {  	_ =	shalt  }
0x7d: {  	_ =	shalt  }
0x7e: {  	_ =	shalt  }
0x7f: {  	_ =	shalt  }
0x80: {  	_ =	shalt  }
0x81: {  	_ =	shalt  }
0x82: {  	_ =	shalt  }
0x83: {  	_ =	shalt  }
0x84: {  	_ =	shalt  }
0x85: {  	_ =	shalt  }
0x86: {  	_ =	shalt  }
0x87: {  	_ =	shalt  }
.Lfunc_end0:
.L_simem_size_0:
called_computation_lowered:
.L_overlay_start_0:
0x88: {  	s2 =	sld [smem:$0x3FD9]  }
0x89: {  	s3 =	sld [smem:$0x3FFE];
	_ =	sdelay $0x1  }
0x8a: {  	s1 =	srdreg.scid  }
0x8b: {  	s0 =	sand.u32 $0x1, s1  }
0x8c: {  	s16 =	sshll.u32 s0, $0xA;
	s2 =	sadd.s32 s3, s2  }
0x8d: {  	s2 =	sadd.s32 s2, s16  }
0x8e: {  	[smem:$0x3FBB] =	sst s2  }
0x8f: {  	_ = 	snop  }
0x90: {  	(tm) =	ssettm $0x1  }
0x91: {  	s17 =	sld [smem:$0x3FFB];
	_ =	sdelay $0x3  }
0x92: {  	_ =	strace s17  }
0x93: {  	s2 =	sld [smem:$0x3FFC];
	_ =	sdelay $0x3  }
0x94: {  	_ =	strace s2  }
0x95: {  	s2 =	sld [smem:$0x3FFD];
	_ =	sdelay $0x3  }
0x96: {  	_ =	strace s2  }
0x97: {  	_ =	strace $0x8FFFFFFF  }
0x98: {  	s18 =	sld [smem:$0x3FDB];
	_ =	sdelay $0x1  }
0x99: {  	s19 =	simm.s32 $_scs_section_size  }
0x9a: {  	s4 =	simm.s32 $_size__tile_overlayer_lowered;
	s5 =	simm.s32 $_tile_overlayer_lowered  }
0x9b: {  	s22 =	simm.s32 $0x1BFF;
	s21 =	sshll.u32 s5, $0x1;
	s2 =	sadd.s32 s19, s18  }
0x9c: {  	s6 =	simm.s32 $0x0;
	s20 =	sshll.u32 s4, $0x1;
	s4 =	sadd.s32 s21, s2  }
0x9d: {  	[timem:s6], [sflag:s22] =	dma.local [hbm:s4], s20  }
0x9e: {  	_ =	swait.ge [sflag:s22], s20  }
0x9f: {  	s3 =	ssub.s32 $0x0, s20;
	[sflag:s22] =	ssyncset.done $0x0  }
0xa0: {  	[sflag:s22] =	ssyncadd.s32 s3;
	_ =	sdelay $0x1  }
0xa1: {  	s23 =	simm.s32 $0x1B8B  }
0xa2: {  	_ =	swait.ge [sflag:s23], $0x1  }
0xa3: {  	[sflag:s23] =	ssyncset.done $0x0  }
0xa4: {  	s25 =	simm.s32 $0x1B8E;
	s24 =	sld [smem:$0x3FFE];
	[sflag:s23] =	ssyncadd.s32 $0xFFFFFFFF  }
0xa5: {  	s26 =	simm.s32 $execute0_lowered;
	[smem:$0x3FD2] =	sst s25  }
0xa6: {  	s4 =	sshll.u32 s26, $0x1;
	_ =	strace $0x80000046;
	[dreg:$0x1] =	wrdreg $0xFFFFFFFF  }
0xa7: {  	s28 =	simm.s32 $_size_execute0_lowered;
	s2 =	sadd.s32 s2, s4;
	[dreg:$0x0] =	wrdreg $0x0  }
0xa8: {  	s4 =	sshll.u32 s28, $0x1;
	[dreg:$0x2] =	wrdreg s2  }
0xa9: {  	[dreg:$0x3] =	wrdreg s4  }
0xaa: {  	[dreg:$0x4] =	wrdreg $0xC0  }
0xab: {  	_ =	task [dreg:s6], $0x5FFFF  }
0xac: {  	[dreg:$0x1] =	wrdreg $0xFFFFFFFF  }
0xad: {  	[dreg:$0x0] =	wrdreg $0x60  }
0xae: {  	[dreg:$0x2] =	wrdreg s24  }
0xaf: {  	[dreg:$0x3] =	wrdreg $0x43000  }
0xb0: {  	[dreg:$0x4] =	wrdreg $0x9  }
0xb1: {  	_ =	task.clear_ibuf [dreg:s6], $0x5FFFF;
	_ =	strace $0x90000046  }
0xb2: {  	s29 =	simm.s32 $0x9;
	_ =	strace $0x80000048  }
0xb3: {  	_ =	swait.ge [sflag:s29], $0x1  }
0xb4: {  	[sflag:s29] =	ssyncadd.s32 $0xFFFFFFFF  }
0xb5: {  	_ =	strace $0x90000048  }
0xb6: {  	_ =	sfence  }
0xb7: {  	s30 =	sld [smem:$0x0];
	_ =	sdelay $0x2  }
0xb8: {  	s31 =	sshll.u32 s1, $0xD;
	s1 =	sshrl.u32 s1, $0x2  }
0xb9: {  	s3 =	sand.u32 $0x4000, s31;
	s1 =	sadd.s32 s1, s30  }
0xba: {  	s0 =	sor.u32 s3, s0;
	s1 =	sshll.u32 s1, $0x11  }
0xbb: {  	s0 =	sor.u32 s1, s0  }
0xbc: {  	s0 =	sadd.s32 $0x8F2B, s0  }
0xbd: {  	[sflag:s0] =	ssyncadd.remote.s32 $0x1  }
0xbe: {  	_ =	sfence.sel $0xFFFF  }
0xbf: {  	[dreg:$0x0] =	wrdreg $0xFFFFFFFF;
	(pc) =	sbr.abs _section_cstart, $3  }
0xc0: {  	[dreg:$0x1] =	wrdreg $0xFFFFFFFF  }
0xc1: {  	_ =	task.clear_ibuf [dreg:s6], $0x2FFFF;
	_ =	strace $0x9FFFFFFF  }
0xc2: {  	(tm) =	ssettm $0x7FFFFFFF  }
0xc3: {  	_ =	shalt  }
tec
execute0_lowered:
.L_overlay_start_1:
0x0: {  	(tag) =	ssettag $0x1  }
0x1: {  	s4 =	rddreg [dreg:$0x0]  }
0x2: {  	s2 =	rddreg [dreg:$0x1]  }
0x3: {  	s0 =	rddreg [dreg:$0x2]  }
0x4: {  	s5 =	srdreg.scid;
	s1 =	stileid.u32  }
0x5: {  	s3 =	simm.s32 $0x0;
	s11 =	simm.s32 $0x4000;
	s12 =	simm.s32 $0x80  }
0x6: {  	s13 =	simm.s32 $0x100;
	s14 =	simm.s32 $0x180;
	s15 =	simm.s32 $0x1  }
0x7: {  	s18 =	simm.s32 $0x20;
	s19 =	simm.s32 $0x10;
	s20 =	simm.s32 $0x0  }
0x8: {  	s5 =	sand.u32 $0x1, s5;
	s6 =	smul.u32 $0x500, s1;
	[smem:$0x7FF] =	sst s3  }
0x9: {  	s28 =	smul.u32 $0xA00, s1;
	s9 =	sshll.u32 s1, $0xC;
	s16 =	sshll.u32 s1, $0x6  }
0xa: {  	s7 =	sshll.u32 s5, $0xB;
	s8 =	sshll.u32 s5, $0x7;
	_ =	strace $0x80000047  }
0xb: {  	s5 =	ssub.s32 $0x2, s5;
	s16 =	sor.u32 $0x1C02, s16;
	s7 =	sadd.s32 s7, s4  }
0xc: {  	s6 =	sor.u32 s8, s6;
	s29 =	sshrl.u32 s5, $0x1;
	s31 =	sshrl.u32 s28, $0x2  }
0xd: {  	s8 =	simm.s32 $0x2;
	s6 =	sshrl.u32 s6, $0x3;
	s10 =	ssub.s32 s5, s29  }
0xe: {  	s30 =	sadd.s32 s9, s7;
	s5 =	sadd.s32 s31, s2;
	s9 =	simm.s32 $0x4080  }
0xf: {  	s6 =	sadd.s32 s6, s4;
	s4 =	sadd.s32 $0x3E00, s30;
	s7 =	smax.u32 s10, $0x1  }
0x10: {  	v0 =	vimm.f32 $1.000000000e+00;
	v1 =	vimm.f32 $0.0e+00;
	s10 =	simm.s32 $0x50;
	s17 =	sshrl.u32 s5, $0x3;
	s6 =	sadd.s32 $0x13E00, s6  }
.LBB2_1:
0x11: {  	[tilespmem:s3], [sflag:$0x2] =	stream.linear.gather [hbm4b:s4+s3], $0x3E80, $0x38;
	[tilespmem:$0x4580] =	vst v63  }
0x12: {  	_ =	swait.ge [sflag:s8], $0x3E80  }
0x13: {  	[sflag:s8] =	ssyncset.done $0x0  }
0x14: {  	[sflag:s8] =	ssyncadd.s32 $0xFFFFC180  }
0x15: {  	[tilespmem:$0x4000] =	vst v0  }
0x16: {  	[tilespmem:$0x4010] =	vst v0  }
0x17: {  	[tilespmem:$0x4020] =	vst v0  }
0x18: {  	[tilespmem:$0x4030] =	vst v0  }
0x19: {  	[tilespmem:$0x4040] =	vst v0  }
0x1a: {  	[tilespmem:$0x4080] =	vst v1  }
0x1b: {  	[tilespmem:$0x4090] =	vst v1  }
0x1c: {  	[tilespmem:$0x40A0] =	vst v1  }
0x1d: {  	[tilespmem:$0x40B0] =	vst v1  }
0x1e: {  	[tilespmem:$0x40C0] =	vst v1  }
0x1f: {  	[tilespmem:$0x40D0] =	vst v1  }
0x20: {  	[tilespmem:$0x40E0] =	vst v1  }
0x21: {  	[tilespmem:$0x40F0] =	vst v1  }
0x22: {  	[tilespmem:$0x4100] =	vst v1  }
0x23: {  	[tilespmem:$0x4110] =	vst v1  }
0x24: {  	[tilespmem:$0x4120] =	vst v1  }
0x25: {  	[tilespmem:$0x4130] =	vst v1  }
0x26: {  	[tilespmem:$0x4140] =	vst v1  }
0x27: {  	[tilespmem:$0x4150] =	vst v1  }
0x28: {  	[tilespmem:$0x4160] =	vst v1  }
0x29: {  	[tilespmem:$0x4170] =	vst v1  }
0x2a: {  	[tilespmem:$0x4180] =	vst v1  }
0x2b: {  	[tilespmem:$0x4190] =	vst v1  }
0x2c: {  	[tilespmem:$0x41A0] =	vst v1  }
0x2d: {  	[tilespmem:$0x41B0] =	vst v1  }
0x2e: {  	[tilespmem:$0x41C0] =	vst v1  }
0x2f: {  	[tilespmem:$0x41D0] =	vst v1  }
0x30: {  	[tilespmem:$0x41E0] =	vst v1  }
0x31: {  	[tilespmem:$0x41F0] =	vst v1  }
0x32: {  	[tilespmem:$0x4200] =	vst v1  }
0x33: {  	[tilespmem:$0x4210] =	vst v1  }
0x34: {  	[tilespmem:$0x4220] =	vst v1  }
0x35: {  	[tilespmem:$0x4230] =	vst v1  }
0x36: {  	[tilespmem:$0x4240] =	vst v1  }
0x37: {  	[tilespmem:$0x4250] =	vst v1  }
0x38: {  	[tilespmem:$0x4260] =	vst v1  }
0x39: {  	[tilespmem:$0x4270] =	vst v1  }
0x3a: {  	[tilespmem:$0x4280] =	vst v1  }
0x3b: {  	[tilespmem:$0x4290] =	vst v1  }
0x3c: {  	[tilespmem:$0x42A0] =	vst v1  }
0x3d: {  	[tilespmem:$0x42B0] =	vst v1  }
0x3e: {  	[tilespmem:$0x42C0] =	vst v1  }
0x3f: {  	[tilespmem:$0x42D0] =	vst v1  }
0x40: {  	[tilespmem:$0x42E0] =	vst v1  }
0x41: {  	[tilespmem:$0x42F0] =	vst v1  }
0x42: {  	[spmem:s5] =	stream.linear.scatter [tilespmem:s9], [sflag:$0x2], $0x280, $0x38;
	[tilespmem:$0x4580] =	vst v63  }
0x43: {  	_ =	swait.ge [sflag:s8], $0x280  }
0x44: {  	[sflag:s8] =	ssyncset.done $0x0  }
0x45: {  	[sflag:s8] =	ssyncadd.s32 $0xFFFFFD80  }
0x46: {  	[bflag:$0x0] =	sbarrier.arrive $0xFFFF  }
0x47: {  	[spmem:s2] =	stream.indirect.scatter.add.f32 [tilespmem:s11], [sflag:$0x1], $0x1, s3, s10, $0xb8;
	[tilespmem:$0x4580] =	vst v63  }
0x48: {  	_ = 	snop  }
0x49: {  	[spmem:s2] =	stream.indirect.scatter.add.f32 [tilespmem:s11], [sflag:$0x1], $0x1, s12, s10, $0xb8;
	[tilespmem:$0x4580] =	vst v63  }
0x4a: {  	_ = 	snop  }
0x4b: {  	[spmem:s2] =	stream.indirect.scatter.add.f32 [tilespmem:s11], [sflag:$0x1], $0x1, s13, s10, $0xb8;
	[tilespmem:$0x4580] =	vst v63  }
0x4c: {  	_ = 	snop  }
0x4d: {  	[spmem:s2] =	stream.indirect.scatter.add.f32 [tilespmem:s11], [sflag:$0x1], $0x1, s14, s10, $0xb8;
	[tilespmem:$0x4580] =	vst v63  }
0x4e: {  	s21 =	simm.s32 $0x200  }
0x4f: {  	[spmem:s2] =	stream.indirect.scatter.add.f32 [tilespmem:s11], [sflag:$0x1], $0x1, s21, s10, $0xb8;
	[tilespmem:$0x4580] =	vst v63  }
0x50: {  	_ =	swait.ge [sflag:s15], $0x50  }
0x51: {  	s21 =	simm.s32 $0xA00;
	[sflag:s15] =	ssyncset.done $0x0  }
.LBB2_2:
0x52: {  	s22 =	sshra.s32 s21, $0x2;
	[sflag:s15] =	ssyncadd.s32 $0xFFFFFFB0;
	p0 =	sne.s32 s21, $0xF800  }
0x53: {  	[spmem:s2] =	stream.indirect.scatter.add.f32 [tilespmem:s11], [sflag:$0x1], $0x1, s22, s10, $0xb8;
	[tilespmem:$0x4580] =	vst v63  }
.Ltmp0:
0x54: {  	_ = 	snop;
	(pc) =	sbr.rel @p0 .LBB2_2-.Ltmp0, $4  }
0x55: {  	_ = 	snop  }
0x56: {  	s21 =	sadd.s32 $0x200, s21  }
0x57: {  	_ =	swait.ge [sflag:s15], $0x50  }
0x58: {  	[sflag:s15] =	ssyncset.done $0x0  }
0x59: {  	[sflag:s15] =	ssyncadd.s32 $0xFFFFFFB0  }
0x5a: {  	_ =	swait.ge [sflag:s15], $0x50  }
0x5b: {  	[sflag:s15] =	ssyncset.done $0x0  }
0x5c: {  	[sflag:s15] =	ssyncadd.s32 $0xFFFFFFB0  }
0x5d: {  	_ =	swait.ge [sflag:s15], $0x50  }
0x5e: {  	[sflag:s15] =	ssyncset.done $0x0  }
0x5f: {  	[sflag:s15] =	ssyncadd.s32 $0xFFFFFFB0  }
0x60: {  	_ =	swait.ge [sflag:s15], $0x50  }
0x61: {  	[sflag:s15] =	ssyncset.done $0x0  }
0x62: {  	[sflag:s15] =	ssyncadd.s32 $0xFFFFFFB0  }
0x63: {  	_ =	swait.ge [sflag:s15], $0x50  }
0x64: {  	s20 =	sadd.s32 $0x1, s20;
	[sflag:s15] =	ssyncset.done $0x0  }
0x65: {  	p0 =	sne.s32 s20, s7;
	[sflag:s15] =	ssyncadd.s32 $0xFFFFFFB0  }
.Ltmp1:
0x66: {  	[bflag:$0x0] =	sbarrier.arrive $0xFFFF;
	(pc) =	sbr.rel @p0 .LBB2_1-.Ltmp1, $4  }
0x67: {  	[hbm:s6@s18], [sflag:s16] =	dma.strided [spmem:s17@s19], $0x50, s15, $0x10   }
0x68: {  	_ =	swait.ge [sflag:s8], $0x50  }
0x69: {  	[sflag:s8] =	ssyncset.done $0x0  }
0x6a: {  	[sflag:s8] =	ssyncadd.s32 $0xFFFFFFB0  }
0x6b: {  	_ =	sfence.sel $0x180000  }
0x6c: {  	[bflag:$0x0] =	sbarrier.arrive $0xFFFF  }
0x6d: {  	p0 =	sne.s32 s1, $0x0;
	_ =	strace $0x90000047  }
0x6e: {  	s0 =	sadd.s32 @!p0 $0x100000, s0;
	[bflag:$0x2] =	sbarrier.arrive $0xFFFF  }
0x6f: {  	[sflag:s0] =	ssyncadd.tile.s32 @!p0 $0x1;
	_ =	shalt  }
.Lfunc_end2:
_tile_overlayer_lowered:
.L_overlay_start_2:
0x70: {  	(tag) =	ssettag $0x2  }
0x71: {  	s0 =	rddreg [dreg:$0x0];
	s2 =	stileid.u32  }
0x72: {  	s1 =	rddreg [dreg:$0x1];
	p0 =	sne.s32 s2, $0x0  }
0x73: {  	s3 =	rddreg [dreg:$0x2];
	[bflag:$0x3] =	sbarrier.arrive $0xFFFF;
	s2 =	simm.s32 @!p0 $0x1C02  }
0x74: {  	[timem:s3], [sflag:s2] =	dma.local @!p0 [hbm:s0], s1  }
0x75: {  	s0 =	simm.s32 @!p0 $0x2  }
0x76: {  	_ =	swait.ge @!p0 [sflag:s0], s1  }
0x77: {  	s1 =	ssub.s32 @!p0 $0x0, s1;
	[sflag:s0] =	ssyncset.done @!p0 $0x0  }
0x78: {  	[sflag:s0] =	ssyncadd.s32 @!p0 s1  }
0x79: {  	[bflag:$0x3] =	sbarrier.arrive $0xFFFF  }
0x7a: {  	_ =	shalt  }

// kernel: kernel.14.cloned.1.call-start
scs
__scs_entry_jumppad:
0x0: {  	(pc) =	sbr.rel $0x88, $3  }
0x1: {  	(tag) =	ssettag $0x0;
	lr =	simm.s32 $0x1  }
0x2: {  	[smem:$0x3F94] =	sst lr;
	_ =	strace $0xD0000000  }
0x3: {  	_ = 	snop  }
0x4: {  	_ = 	snop  }
0x5: {  	_ = 	snop  }
0x6: {  	_ = 	snop  }
0x7: {  	_ = 	snop  }
__scs_overlays_trampoline_lowered:
0x8: {  	[smem:$0x3FA3] =	sst s0  }
0x9: {  	[smem:$0x3FA4] =	sst s1  }
0xa: {  	[smem:$0x3FA5] =	sst s2  }
0xb: {  	[smem:$0x3FA6] =	sst s3  }
0xc: {  	[smem:$0x3FA7] =	sst s4  }
0xd: {  	[smem:$0x3FA8] =	sst s5  }
0xe: {  	[smem:$0x3FA9] =	sst s6  }
0xf: {  	[smem:$0x3FAA] =	sst s7  }
0x10: {  	[smem:$0x3FAB] =	sst s8  }
0x11: {  	[smem:$0x3FAC] =	sst s9;
	s0 =	simm.s32 @!p0 $0x0  }
0x12: {  	s1 =	sld [smem:$0x3F92];
	s0 =	simm.s32 @p0 $0x1  }
0x13: {  	[smem:$0x3FAD] =	sst s0;
	s0 =	simm.s32 @!p1 $0x0  }
0x14: {  	s2 =	sld [smem:$0x3F91];
	s0 =	simm.s32 @p1 $0x1  }
0x15: {  	[smem:$0x3FAE] =	sst s0;
	s0 =	simm.s32 @!p2 $0x0  }
0x16: {  	s3 =	sld [smem:$0x3FDB];
	s0 =	simm.s32 @p2 $0x1  }
0x17: {  	s4 =	simm.s32 $0x1BF5;
	[smem:$0x3FB0] =	sst s0  }
0x18: {  	s0 =	sld [smem:$0x3F93];
	_ =	swait.ge [sflag:s4], $0x0  }
0x19: {  	s7 =	sld [smem:$0x3F94]  }
0x1a: {  	s8 =	sadd.s32 $0xFFFFE003, lr  }
0x1b: {  	s9 =	sadd.s32 $0xFFFFFEF7, lr;
	s5 =	simm.s32 $0xFFFFFFFF;
	p2 =	slt.u32 s8, $0xFFFFF086  }
0x1c: {  	p1 =	slt.u32 s9, $0xF7A;
	s5 =	simm.s32 @!p2 $0x0  }
0x1d: {  	s5 =	simm.s32 @p1 $0x1;
	p0 =	seq.s32 s7, s2  }
0x1e: {  	s7 =	smul.u32 @!p0 $0xF7A, s2;
	p2 =	seq.s32 @!p0 s5, $0x0  }
0x1f: {  	s9 =	smul.u32 $0xF7A, s1;
	s8 =	simm.s32 @!p0 $0x1BF5;
	p2 =	por !p2, p0  }
0x20: {  	[sflag:s8] =	ssyncset.s32 @!p0 $0xFFFFF086;
	s6 =	sadd.s32 @!p0 s3, s7;
	s7 =	simm.s32 @!p0 $0x108  }
0x21: {  	s3 =	sadd.s32 s3, s9;
	s6 =	sadd.s32 @!p0 $0x88, s6;
	s7 =	simm.s32 @p2 $0x1082  }
0x22: {  	[simem:s7], [sflag:s8] =	dma.local @!p0 [hbm:s6], $0xF7A  }
0x23: {  	s9 =	sor.u32 $0xD0000000, s2;
	s6 =	simm.s32 $0x108;
	_ =	swait.ge @!p0 [sflag:s8], $0x0  }
0x24: {  	s3 =	sadd.s32 $0x88, s3;
	s6 =	simm.s32 @!p1 $0x1082;
	[sflag:s4] =	ssyncset.s32 $0xFFFFF086  }
0x25: {  	[simem:s6], [sflag:s4] =	dma.local [hbm:s3], $0xF7A  }
0x26: {  	[smem:$0x3F94] =	sst s1;
	(tag) =	ssettag s2;
	_ =	strace s9  }
0x27: {  	s1 =	sld [smem:$0x3FA4]  }
0x28: {  	s2 =	sld [smem:$0x3FA5]  }
0x29: {  	s4 =	sld [smem:$0x3FA7]  }
0x2a: {  	p0 =	seq.s32 s5, $0x0;
	s5 =	sld [smem:$0x3FA8]  }
0x2b: {  	s6 =	sld [smem:$0x3FA9]  }
0x2c: {  	s7 =	sld [smem:$0x3FAA]  }
0x2d: {  	s3 =	simm.s32 $0x108;
	s8 =	sld [smem:$0x3FAB]  }
0x2e: {  	s3 =	simm.s32 @!p0 $0x1082;
	s9 =	sld [smem:$0x3FAC]  }
0x2f: {  	lr =	sadd.s32 s0, s3;
	s0 =	sld [smem:$0x3FA3]  }
0x30: {  	s3 =	sld [smem:$0x3FA6]  }
0x31: {  	[smem:$0x3FAF] =	sst s10  }
0x32: {  	s10 =	sld [smem:$0x3FAD];
	_ =	sdelay $0x3  }
0x33: {  	p0 =	seq.s32 s10, $0x1;
	s10 =	sld [smem:$0x3FAF];
	_ =	sdelay $0x3  }
0x34: {  	[smem:$0x3FAF] =	sst s10  }
0x35: {  	s10 =	sld [smem:$0x3FAE];
	_ =	sdelay $0x3  }
0x36: {  	p1 =	seq.s32 s10, $0x1;
	s10 =	sld [smem:$0x3FAF];
	_ =	sdelay $0x3  }
0x37: {  	[smem:$0x3FAF] =	sst s10  }
0x38: {  	s10 =	sld [smem:$0x3FB0]  }
0x39: {  	_ = 	snop;
	(pc) =	sbr.ind lr, $3  }
0x3a: {  	_ = 	snop  }
0x3b: {  	_ = 	snop  }
0x3c: {  	p2 =	seq.s32 s10, $0x1;
	s10 =	sld [smem:$0x3FAF]  }
0x3d: {  	_ =	shalt  }
0x3e: {  	_ =	shalt  }
0x3f: {  	_ =	shalt  }
0x40: {  	_ =	shalt  }
0x41: {  	_ =	shalt  }
0x42: {  	_ =	shalt  }
0x43: {  	_ =	shalt  }
0x44: {  	_ =	shalt  }
0x45: {  	_ =	shalt  }
0x46: {  	_ =	shalt  }
0x47: {  	_ =	shalt  }
0x48: {  	_ =	shalt  }
0x49: {  	_ =	shalt  }
0x4a: {  	_ =	shalt  }
0x4b: {  	_ =	shalt  }
0x4c: {  	_ =	shalt  }
0x4d: {  	_ =	shalt  }
0x4e: {  	_ =	shalt  }
0x4f: {  	_ =	shalt  }
0x50: {  	_ =	shalt  }
0x51: {  	_ =	shalt  }
0x52: {  	_ =	shalt  }
0x53: {  	_ =	shalt  }
0x54: {  	_ =	shalt  }
0x55: {  	_ =	shalt  }
0x56: {  	_ =	shalt  }
0x57: {  	_ =	shalt  }
0x58: {  	_ =	shalt  }
0x59: {  	_ =	shalt  }
0x5a: {  	_ =	shalt  }
0x5b: {  	_ =	shalt  }
0x5c: {  	_ =	shalt  }
0x5d: {  	_ =	shalt  }
0x5e: {  	_ =	shalt  }
0x5f: {  	_ =	shalt  }
0x60: {  	_ =	shalt  }
0x61: {  	_ =	shalt  }
0x62: {  	_ =	shalt  }
0x63: {  	_ =	shalt  }
0x64: {  	_ =	shalt  }
0x65: {  	_ =	shalt  }
0x66: {  	_ =	shalt  }
0x67: {  	_ =	shalt  }
0x68: {  	_ =	shalt  }
0x69: {  	_ =	shalt  }
0x6a: {  	_ =	shalt  }
0x6b: {  	_ =	shalt  }
0x6c: {  	_ =	shalt  }
0x6d: {  	_ =	shalt  }
0x6e: {  	_ =	shalt  }
0x6f: {  	_ =	shalt  }
0x70: {  	_ =	shalt  }
0x71: {  	_ =	shalt  }
0x72: {  	_ =	shalt  }
0x73: {  	_ =	shalt  }
0x74: {  	_ =	shalt  }
0x75: {  	_ =	shalt  }
0x76: {  	_ =	shalt  }
0x77: {  	_ =	shalt  }
0x78: {  	_ =	shalt  }
0x79: {  	_ =	shalt  }
0x7a: {  	_ =	shalt  }
0x7b: {  	_ =	shalt  }
0x7c: {  	_ =	shalt  }
0x7d: {  	_ =	shalt  }
0x7e: {  	_ =	shalt  }
0x7f: {  	_ =	shalt  }
0x80: {  	_ =	shalt  }
0x81: {  	_ =	shalt  }
0x82: {  	_ =	shalt  }
0x83: {  	_ =	shalt  }
0x84: {  	_ =	shalt  }
0x85: {  	_ =	shalt  }
0x86: {  	_ =	shalt  }
0x87: {  	_ =	shalt  }
.Lfunc_end0:
.L_simem_size_0:
called_computation.1_lowered:
.L_overlay_start_0:
0x88: {  	s2 =	sld [smem:$0x3FD9]  }
0x89: {  	s3 =	sld [smem:$0x3FFE];
	_ =	sdelay $0x1  }
0x8a: {  	s1 =	srdreg.scid  }
0x8b: {  	s0 =	sand.u32 $0x1, s1  }
0x8c: {  	s16 =	sshll.u32 s0, $0xA;
	s2 =	sadd.s32 s3, s2  }
0x8d: {  	s2 =	sadd.s32 s2, s16  }
0x8e: {  	[smem:$0x3FBB] =	sst s2  }
0x8f: {  	_ = 	snop  }
0x90: {  	(tm) =	ssettm $0x1  }
0x91: {  	s17 =	sld [smem:$0x3FFB];
	_ =	sdelay $0x3  }
0x92: {  	_ =	strace s17  }
0x93: {  	s2 =	sld [smem:$0x3FFC];
	_ =	sdelay $0x3  }
0x94: {  	_ =	strace s2  }
0x95: {  	s2 =	sld [smem:$0x3FFD];
	_ =	sdelay $0x3  }
0x96: {  	_ =	strace s2  }
0x97: {  	_ =	strace $0x8FFFFFFF  }
0x98: {  	s18 =	sld [smem:$0x3FDB];
	_ =	sdelay $0x1  }
0x99: {  	s19 =	simm.s32 $_scs_section_size  }
0x9a: {  	s4 =	simm.s32 $_size__tile_overlayer_lowered;
	s5 =	simm.s32 $_tile_overlayer_lowered  }
0x9b: {  	s22 =	simm.s32 $0x1BFF;
	s21 =	sshll.u32 s5, $0x1;
	s2 =	sadd.s32 s19, s18  }
0x9c: {  	s6 =	simm.s32 $0x0;
	s20 =	sshll.u32 s4, $0x1;
	s4 =	sadd.s32 s21, s2  }
0x9d: {  	[timem:s6], [sflag:s22] =	dma.local [hbm:s4], s20  }
0x9e: {  	_ =	swait.ge [sflag:s22], s20  }
0x9f: {  	s3 =	ssub.s32 $0x0, s20;
	[sflag:s22] =	ssyncset.done $0x0  }
0xa0: {  	[sflag:s22] =	ssyncadd.s32 s3;
	_ =	sdelay $0x1  }
0xa1: {  	s23 =	simm.s32 $0x1B8B  }
0xa2: {  	_ =	swait.ge [sflag:s23], $0x1  }
0xa3: {  	[sflag:s23] =	ssyncset.done $0x0  }
0xa4: {  	s25 =	simm.s32 $0x1B8E;
	s24 =	sld [smem:$0x3FFE];
	[sflag:s23] =	ssyncadd.s32 $0xFFFFFFFF  }
0xa5: {  	s26 =	simm.s32 $execute0_lowered;
	[smem:$0x3FD2] =	sst s25  }
0xa6: {  	s4 =	sshll.u32 s26, $0x1;
	_ =	strace $0x80000049;
	[dreg:$0x1] =	wrdreg $0xFFFFFFFF  }
0xa7: {  	s28 =	simm.s32 $_size_execute0_lowered;
	s2 =	sadd.s32 s2, s4;
	[dreg:$0x0] =	wrdreg $0x0  }
0xa8: {  	s4 =	sshll.u32 s28, $0x1;
	[dreg:$0x2] =	wrdreg s2  }
0xa9: {  	[dreg:$0x3] =	wrdreg s4  }
0xaa: {  	[dreg:$0x4] =	wrdreg $0xC0  }
0xab: {  	_ =	task [dreg:s6], $0x5FFFF  }
0xac: {  	[dreg:$0x1] =	wrdreg $0xFFFFFFFF  }
0xad: {  	[dreg:$0x0] =	wrdreg $0x60  }
0xae: {  	[dreg:$0x2] =	wrdreg s24  }
0xaf: {  	[dreg:$0x3] =	wrdreg $0xB7800  }
0xb0: {  	[dreg:$0x4] =	wrdreg $0x9  }
0xb1: {  	_ =	task.clear_ibuf [dreg:s6], $0x5FFFF;
	_ =	strace $0x90000049  }
0xb2: {  	s29 =	simm.s32 $0x9;
	_ =	strace $0x8000004B  }
0xb3: {  	_ =	swait.ge [sflag:s29], $0x1  }
0xb4: {  	[sflag:s29] =	ssyncadd.s32 $0xFFFFFFFF  }
0xb5: {  	_ =	strace $0x9000004B  }
0xb6: {  	_ =	sfence  }
0xb7: {  	s30 =	sld [smem:$0x0];
	_ =	sdelay $0x2  }
0xb8: {  	s31 =	sshll.u32 s1, $0xD;
	s1 =	sshrl.u32 s1, $0x2  }
0xb9: {  	s3 =	sand.u32 $0x4000, s31;
	s1 =	sadd.s32 s1, s30  }
0xba: {  	s0 =	sor.u32 s3, s0;
	s1 =	sshll.u32 s1, $0x11  }
0xbb: {  	s0 =	sor.u32 s1, s0  }
0xbc: {  	s0 =	sadd.s32 $0x8F2B, s0  }
0xbd: {  	[sflag:s0] =	ssyncadd.remote.s32 $0x1  }
0xbe: {  	_ =	sfence.sel $0xFFFF  }
0xbf: {  	[dreg:$0x0] =	wrdreg $0xFFFFFFFF;
	(pc) =	sbr.abs _section_cstart, $3  }
0xc0: {  	[dreg:$0x1] =	wrdreg $0xFFFFFFFF  }
0xc1: {  	_ =	task.clear_ibuf [dreg:s6], $0x2FFFF;
	_ =	strace $0x9FFFFFFF  }
0xc2: {  	(tm) =	ssettm $0x7FFFFFFF  }
0xc3: {  	_ =	shalt  }
tec
execute0_lowered:
.L_overlay_start_1:
0x0: {  	(tag) =	ssettag $0x1  }
0x1: {  	s1 =	srdreg.scid;
	s6 =	rddreg [dreg:$0x0]  }
0x2: {  	s0 =	stileid.u32;
	s2 =	rddreg [dreg:$0x1]  }
0x3: {  	s3 =	simm.s32 $0x0;
	s13 =	simm.s32 $0x2780;
	s14 =	simm.s32 $0x50  }
0x4: {  	s15 =	simm.s32 $0x6780;
	s18 =	simm.s32 $0x8F80;
	s19 =	simm.s32 $0x1  }
0x5: {  	s20 =	simm.s32 $0x2;
	s21 =	simm.s32 $0x6580;
	s22 =	simm.s32 $0x0  }
0x6: {  	s5 =	sand.u32 $0x1, s1;
	s28 =	sshll.u32 s0, $0x1;
	s30 =	smul.u32 $0x14000, s0  }
0x7: {  	s29 =	sshrl.u32 s0, $0x2;
	s1 =	rddreg [dreg:$0x2];
	s12 =	smul.u32 $0x50000, s0  }
0x8: {  	[smem:$0x7FF] =	sst s3;
	s16 =	sshll.u32 s0, $0x6;
	s4 =	smul.u32 $0x13C00, s29  }
0x9: {  	s7 =	sor.u32 s5, s28;
	_ =	strace $0x8000004A;
	s10 =	smul.u32 $0x140000, s5  }
0xa: {  	s5 =	ssub.s32 $0x2, s5;
	s16 =	sor.u32 $0x1C03, s16;
	s8 =	sshll.u32 s7, $0x7  }
0xb: {  	s7 =	sshll.u32 s7, $0xB;
	s11 =	sshrl.u32 s5, $0x1;
	s31 =	sshrl.u32 s12, $0x2  }
0xc: {  	s12 =	simm.s32 $0x3;
	s8 =	sand.u32 $0x380, s8;
	s7 =	sadd.s32 s7, s6  }
0xd: {  	s10 =	sadd.s32 s30, s10;
	s11 =	ssub.s32 s5, s11;
	s17 =	sadd.s32 s31, s2  }
0xe: {  	s4 =	sor.u32 s4, s8;
	s10 =	sshrl.u32 s10, $0x3;
	s8 =	sshrl.u32 s30, $0x3  }
0xf: {  	s17 =	sshrl.u32 s17, $0x3;
	s9 =	sshrl.u32 s4, $0x3;
	s4 =	sadd.s32 $0x1E600, s6  }
0x10: {  	s10 =	sadd.s32 s10, s6;
	s9 =	sadd.s32 s9, s6;
	s6 =	sadd.s32 $0x3E00, s7  }
0x11: {  	s7 =	sadd.s32 s4, s8;
	s8 =	sadd.s32 $0x46600, s10;
	s10 =	simm.s32 $0x80  }
0x12: {  	s5 =	sadd.s32 $0x14800, s9;
	s9 =	smax.u32 s11, $0x1;
	s11 =	simm.s32 $0x400  }
.LBB2_1:
0x13: {  	[tilespmem:s3], [sflag:$0x3] =	stream.strided.gather [hbm4b:s5+s10], $0x2780, s11, s10, $0x38;
	[tilespmem:$0x1F780] =	vst v63  }
0x14: {  	_ =	swait.ge [sflag:s12], $0x2780  }
0x15: {  	[sflag:s12] =	ssyncset.done $0x0  }
0x16: {  	[sflag:s12] =	ssyncadd.s32 $0xFFFFD880  }
0x17: {  	[tilespmem:s13], [sflag:$0x3] =	stream.linear.gather [hbm4b:s6+s3], $0x3E80, $0x38;
	[tilespmem:$0x1F780] =	vst v63  }
0x18: {  	_ =	swait.ge [sflag:s12], $0x3E80  }
0x19: {  	[sflag:s12] =	ssyncset.done $0x0  }
0x1a: {  	[sflag:s12] =	ssyncadd.s32 $0xFFFFC180  }
0x1b: {  	[tilespmem:s15], [sflag:$0x1] =	stream.indirect.gather [hbm4b:s4+s14], $0x80, s3, s14, $0xb8;
	[tilespmem:$0x1F780] =	vst v63  }
0x1c: {  	[spmem:s17], [sflag:s16] =	dma.local [hbm:s7], $0x2800  }
0x1d: {  	_ =	swait.ge [sflag:s12], $0x2800  }
0x1e: {  	[sflag:s12] =	ssyncset.done $0x0  }
0x1f: {  	[sflag:s12] =	ssyncadd.s32 $0xFFFFD800  }
0x20: {  	s23 =	simm.s32 $0x50;
	[bflag:$0x0] =	sbarrier.arrive $0xFFFF  }
0x21: {  	[tilespmem:s18], [sflag:$0x2] =	stream.indirect.gather [hbm4b:s4+s14], $0x80, s23, s14, $0xb8;
	[tilespmem:$0x1F780] =	vst v63  }
0x22: {  	_ =	swait.ge [sflag:s19], $0x2800  }
0x23: {  	[sflag:s19] =	ssyncset.done $0x0  }
0x24: {  	s29 =	simm.s32 $0x2780;
	[sflag:s19] =	ssyncadd.s32 $0xFFFFD800  }
0x25: {  	[spmem:s2] =	stream.indirect.scatter.add.f32 [tilespmem:s15], [sflag:$0x3], $0x80, s29, s14, $0xb8;
	[tilespmem:$0x1F780] =	vst v63  }
0x26: {  	_ =	swait.ge [sflag:s12], $0x2800  }
0x27: {  	[sflag:s12] =	ssyncset.done $0x0  }
0x28: {  	s30 =	simm.s32 $0xA0;
	[sflag:s12] =	ssyncadd.s32 $0xFFFFD800  }
0x29: {  	[tilespmem:s15], [sflag:$0x1] =	stream.indirect.gather [hbm4b:s4+s14], $0x80, s30, s14, $0xb8;
	[tilespmem:$0x1F780] =	vst v63  }
0x2a: {  	_ =	swait.ge [sflag:s20], $0x2800  }
0x2b: {  	[sflag:s20] =	ssyncset.done $0x0  }
0x2c: {  	s31 =	simm.s32 $0x2800;
	[sflag:s20] =	ssyncadd.s32 $0xFFFFD800  }
0x2d: {  	[spmem:s2] =	stream.indirect.scatter.add.f32 [tilespmem:s18], [sflag:$0x3], $0x80, s31, s14, $0xb8;
	[tilespmem:$0x1F780] =	vst v63  }
0x2e: {  	s24 =	simm.s32 $0x400;
	_ =	swait.ge [sflag:s12], $0x2800  }
0x2f: {  	s25 =	simm.s32 $0x800;
	s23 =	simm.s32 $0x140;
	[sflag:s12] =	ssyncset.done $0x0  }
.LBB2_2:
0x30: {  	p0 =	sne.s32 s25, $0xF400;
	s26 =	sadd.s32 $0xFFFFFFB0, s23;
	[sflag:s12] =	ssyncadd.s32 $0xFFFFD800  }
0x31: {  	[tilespmem:s18], [sflag:$0x2] =	stream.indirect.gather [hbm4b:s4+s14], $0x80, s26, s14, $0xb8;
	[tilespmem:$0x1F780] =	vst v63  }
0x32: {  	s26 =	smov.u32 s25;
	s25 =	sadd.s32 $0x400, s25;
	_ =	swait.ge [sflag:s19], $0x2800  }
0x33: {  	s28 =	sshra.s32 s24, $0x2;
	s24 =	smov.u32 s26;
	[sflag:s19] =	ssyncset.done $0x0  }
0x34: {  	s26 =	sadd.s32 $0x2780, s28;
	[sflag:s19] =	ssyncadd.s32 $0xFFFFD800  }
0x35: {  	[spmem:s2] =	stream.indirect.scatter.add.f32 [tilespmem:s15], [sflag:$0x3], $0x80, s26, s14, $0xb8;
	[tilespmem:$0x1F780] =	vst v63  }
0x36: {  	_ =	swait.ge [sflag:s12], $0x2800  }
0x37: {  	[sflag:s12] =	ssyncset.done $0x0  }
0x38: {  	[sflag:s12] =	ssyncadd.s32 $0xFFFFD800  }
0x39: {  	[tilespmem:s15], [sflag:$0x1] =	stream.indirect.gather [hbm4b:s4+s14], $0x80, s23, s14, $0xb8;
	[tilespmem:$0x1F780] =	vst v63  }
0x3a: {  	_ =	swait.ge [sflag:s20], $0x2800  }
.Ltmp0:
0x3b: {  	[sflag:s20] =	ssyncset.done $0x0;
	(pc) =	sbr.rel @p0 .LBB2_2-.Ltmp0, $4  }
0x3c: {  	s26 =	sadd.s32 $0x2800, s28;
	[sflag:s20] =	ssyncadd.s32 $0xFFFFD800  }
0x3d: {  	[spmem:s2] =	stream.indirect.scatter.add.f32 [tilespmem:s18], [sflag:$0x3], $0x80, s26, s14, $0xb8;
	[tilespmem:$0x1F780] =	vst v63  }
0x3e: {  	_ =	swait.ge [sflag:s12], $0x2800  }
0x3f: {  	s23 =	sadd.s32 $0xA0, s23;
	[sflag:s12] =	ssyncset.done $0x0  }
0x40: {  	s25 =	sadd.s32 $0xFFFFFFB0, s23;
	[sflag:s12] =	ssyncadd.s32 $0xFFFFD800  }
0x41: {  	[tilespmem:s18], [sflag:$0x2] =	stream.indirect.gather [hbm4b:s4+s14], $0x80, s25, s14, $0xb8;
	[tilespmem:$0x1F780] =	vst v63  }
0x42: {  	_ =	swait.ge [sflag:s19], $0x2800  }
0x43: {  	s24 =	sshra.s32 s24, $0x2;
	[sflag:s19] =	ssyncset.done $0x0  }
0x44: {  	s30 =	sadd.s32 $0x2780, s24;
	[sflag:s19] =	ssyncadd.s32 $0xFFFFD800  }
0x45: {  	[spmem:s2] =	stream.indirect.scatter.add.f32 [tilespmem:s15], [sflag:$0x3], $0x80, s30, s14, $0xb8;
	[tilespmem:$0x1F780] =	vst v63  }
0x46: {  	_ =	swait.ge [sflag:s12], $0x2800  }
0x47: {  	[sflag:s12] =	ssyncset.done $0x0  }
0x48: {  	[sflag:s12] =	ssyncadd.s32 $0xFFFFD800  }
0x49: {  	[tilespmem:s15], [sflag:$0x1] =	stream.indirect.gather [hbm4b:s4+s14], $0x80, s23, s14, $0xb8;
	[tilespmem:$0x1F780] =	vst v63  }
0x4a: {  	_ =	swait.ge [sflag:s20], $0x2800  }
0x4b: {  	[sflag:s20] =	ssyncset.done $0x0  }
0x4c: {  	s31 =	sadd.s32 $0x2800, s24;
	[sflag:s20] =	ssyncadd.s32 $0xFFFFD800  }
0x4d: {  	[spmem:s2] =	stream.indirect.scatter.add.f32 [tilespmem:s18], [sflag:$0x3], $0x80, s31, s14, $0xb8;
	[tilespmem:$0x1F780] =	vst v63  }
0x4e: {  	_ =	swait.ge [sflag:s12], $0x2800  }
0x4f: {  	[sflag:s12] =	ssyncset.done $0x0  }
0x50: {  	[sflag:s12] =	ssyncadd.s32 $0xFFFFD800  }
0x51: {  	_ =	swait.ge [sflag:s19], $0x2800  }
0x52: {  	[sflag:s19] =	ssyncset.done $0x0  }
0x53: {  	[sflag:s19] =	ssyncadd.s32 $0xFFFFD800  }
0x54: {  	[spmem:s2] =	stream.indirect.scatter.add.f32 [tilespmem:s15], [sflag:$0x3], $0x80, s21, s14, $0xb8;
	[tilespmem:$0x1F780] =	vst v63  }
0x55: {  	_ =	swait.ge [sflag:s12], $0x2800  }
0x56: {  	s22 =	sadd.s32 $0x1, s22;
	[sflag:s12] =	ssyncset.done $0x0  }
0x57: {  	p0 =	sne.s32 s22, s9;
	[sflag:s12] =	ssyncadd.s32 $0xFFFFD800  }
.Ltmp1:
0x58: {  	[bflag:$0x0] =	sbarrier.arrive $0xFFFF;
	(pc) =	sbr.rel @p0 .LBB2_1-.Ltmp1, $4  }
0x59: {  	[hbm:s8], [sflag:s16] =	dma.local [spmem:s17], $0x2800  }
0x5a: {  	_ =	swait.ge [sflag:s12], $0x2800  }
0x5b: {  	[sflag:s12] =	ssyncset.done $0x0  }
0x5c: {  	[sflag:s12] =	ssyncadd.s32 $0xFFFFD800  }
0x5d: {  	_ =	sfence.sel $0x180000  }
0x5e: {  	[bflag:$0x0] =	sbarrier.arrive $0xFFFF  }
0x5f: {  	p0 =	sne.s32 s0, $0x0;
	_ =	strace $0x9000004A  }
0x60: {  	s0 =	sadd.s32 @!p0 $0x100000, s1;
	[bflag:$0x2] =	sbarrier.arrive $0xFFFF  }
0x61: {  	[sflag:s0] =	ssyncadd.tile.s32 @!p0 $0x1;
	_ =	shalt  }
.Lfunc_end2:
_tile_overlayer_lowered:
.L_overlay_start_2:
0x62: {  	(tag) =	ssettag $0x2  }
0x63: {  	s0 =	rddreg [dreg:$0x0];
	s2 =	stileid.u32  }
0x64: {  	s1 =	rddreg [dreg:$0x1];
	p0 =	sne.s32 s2, $0x0  }
0x65: {  	s3 =	rddreg [dreg:$0x2];
	[bflag:$0x3] =	sbarrier.arrive $0xFFFF;
	s2 =	simm.s32 @!p0 $0x1C03  }
0x66: {  	[timem:s3], [sflag:s2] =	dma.local @!p0 [hbm:s0], s1  }
0x67: {  	s0 =	simm.s32 @!p0 $0x3  }
0x68: {  	_ =	swait.ge @!p0 [sflag:s0], s1  }
0x69: {  	s1 =	ssub.s32 @!p0 $0x0, s1;
	[sflag:s0] =	ssyncset.done @!p0 $0x0  }
0x6a: {  	[sflag:s0] =	ssyncadd.s32 @!p0 s1  }
0x6b: {  	[bflag:$0x3] =	sbarrier.arrive $0xFFFF  }
0x6c: {  	_ =	shalt  }

// kernel: kernel.17.cloned.1.call-start
scs
__scs_entry_jumppad:
0x0: {  	(pc) =	sbr.rel $0x88, $3  }
0x1: {  	(tag) =	ssettag $0x0;
	lr =	simm.s32 $0x1  }
0x2: {  	[smem:$0x3F94] =	sst lr;
	_ =	strace $0xD0000000  }
0x3: {  	_ = 	snop  }
0x4: {  	_ = 	snop  }
0x5: {  	_ = 	snop  }
0x6: {  	_ = 	snop  }
0x7: {  	_ = 	snop  }
__scs_overlays_trampoline_lowered:
0x8: {  	[smem:$0x3FA3] =	sst s0  }
0x9: {  	[smem:$0x3FA4] =	sst s1  }
0xa: {  	[smem:$0x3FA5] =	sst s2  }
0xb: {  	[smem:$0x3FA6] =	sst s3  }
0xc: {  	[smem:$0x3FA7] =	sst s4  }
0xd: {  	[smem:$0x3FA8] =	sst s5  }
0xe: {  	[smem:$0x3FA9] =	sst s6  }
0xf: {  	[smem:$0x3FAA] =	sst s7  }
0x10: {  	[smem:$0x3FAB] =	sst s8  }
0x11: {  	[smem:$0x3FAC] =	sst s9;
	s0 =	simm.s32 @!p0 $0x0  }
0x12: {  	s1 =	sld [smem:$0x3F92];
	s0 =	simm.s32 @p0 $0x1  }
0x13: {  	[smem:$0x3FAD] =	sst s0;
	s0 =	simm.s32 @!p1 $0x0  }
0x14: {  	s2 =	sld [smem:$0x3F91];
	s0 =	simm.s32 @p1 $0x1  }
0x15: {  	[smem:$0x3FAE] =	sst s0;
	s0 =	simm.s32 @!p2 $0x0  }
0x16: {  	s3 =	sld [smem:$0x3FDB];
	s0 =	simm.s32 @p2 $0x1  }
0x17: {  	s4 =	simm.s32 $0x1BF5;
	[smem:$0x3FB0] =	sst s0  }
0x18: {  	s0 =	sld [smem:$0x3F93];
	_ =	swait.ge [sflag:s4], $0x0  }
0x19: {  	s7 =	sld [smem:$0x3F94]  }
0x1a: {  	s8 =	sadd.s32 $0xFFFFE003, lr  }
0x1b: {  	s9 =	sadd.s32 $0xFFFFFEF7, lr;
	s5 =	simm.s32 $0xFFFFFFFF;
	p2 =	slt.u32 s8, $0xFFFFF086  }
0x1c: {  	p1 =	slt.u32 s9, $0xF7A;
	s5 =	simm.s32 @!p2 $0x0  }
0x1d: {  	s5 =	simm.s32 @p1 $0x1;
	p0 =	seq.s32 s7, s2  }
0x1e: {  	s7 =	smul.u32 @!p0 $0xF7A, s2;
	p2 =	seq.s32 @!p0 s5, $0x0  }
0x1f: {  	s9 =	smul.u32 $0xF7A, s1;
	s8 =	simm.s32 @!p0 $0x1BF5;
	p2 =	por !p2, p0  }
0x20: {  	[sflag:s8] =	ssyncset.s32 @!p0 $0xFFFFF086;
	s6 =	sadd.s32 @!p0 s3, s7;
	s7 =	simm.s32 @!p0 $0x108  }
0x21: {  	s3 =	sadd.s32 s3, s9;
	s6 =	sadd.s32 @!p0 $0x88, s6;
	s7 =	simm.s32 @p2 $0x1082  }
0x22: {  	[simem:s7], [sflag:s8] =	dma.local @!p0 [hbm:s6], $0xF7A  }
0x23: {  	s9 =	sor.u32 $0xD0000000, s2;
	s6 =	simm.s32 $0x108;
	_ =	swait.ge @!p0 [sflag:s8], $0x0  }
0x24: {  	s3 =	sadd.s32 $0x88, s3;
	s6 =	simm.s32 @!p1 $0x1082;
	[sflag:s4] =	ssyncset.s32 $0xFFFFF086  }
0x25: {  	[simem:s6], [sflag:s4] =	dma.local [hbm:s3], $0xF7A  }
0x26: {  	[smem:$0x3F94] =	sst s1;
	(tag) =	ssettag s2;
	_ =	strace s9  }
0x27: {  	s1 =	sld [smem:$0x3FA4]  }
0x28: {  	s2 =	sld [smem:$0x3FA5]  }
0x29: {  	s4 =	sld [smem:$0x3FA7]  }
0x2a: {  	p0 =	seq.s32 s5, $0x0;
	s5 =	sld [smem:$0x3FA8]  }
0x2b: {  	s6 =	sld [smem:$0x3FA9]  }
0x2c: {  	s7 =	sld [smem:$0x3FAA]  }
0x2d: {  	s3 =	simm.s32 $0x108;
	s8 =	sld [smem:$0x3FAB]  }
0x2e: {  	s3 =	simm.s32 @!p0 $0x1082;
	s9 =	sld [smem:$0x3FAC]  }
0x2f: {  	lr =	sadd.s32 s0, s3;
	s0 =	sld [smem:$0x3FA3]  }
0x30: {  	s3 =	sld [smem:$0x3FA6]  }
0x31: {  	[smem:$0x3FAF] =	sst s10  }
0x32: {  	s10 =	sld [smem:$0x3FAD];
	_ =	sdelay $0x3  }
0x33: {  	p0 =	seq.s32 s10, $0x1;
	s10 =	sld [smem:$0x3FAF];
	_ =	sdelay $0x3  }
0x34: {  	[smem:$0x3FAF] =	sst s10  }
0x35: {  	s10 =	sld [smem:$0x3FAE];
	_ =	sdelay $0x3  }
0x36: {  	p1 =	seq.s32 s10, $0x1;
	s10 =	sld [smem:$0x3FAF];
	_ =	sdelay $0x3  }
0x37: {  	[smem:$0x3FAF] =	sst s10  }
0x38: {  	s10 =	sld [smem:$0x3FB0]  }
0x39: {  	_ = 	snop;
	(pc) =	sbr.ind lr, $3  }
0x3a: {  	_ = 	snop  }
0x3b: {  	_ = 	snop  }
0x3c: {  	p2 =	seq.s32 s10, $0x1;
	s10 =	sld [smem:$0x3FAF]  }
0x3d: {  	_ =	shalt  }
0x3e: {  	_ =	shalt  }
0x3f: {  	_ =	shalt  }
0x40: {  	_ =	shalt  }
0x41: {  	_ =	shalt  }
0x42: {  	_ =	shalt  }
0x43: {  	_ =	shalt  }
0x44: {  	_ =	shalt  }
0x45: {  	_ =	shalt  }
0x46: {  	_ =	shalt  }
0x47: {  	_ =	shalt  }
0x48: {  	_ =	shalt  }
0x49: {  	_ =	shalt  }
0x4a: {  	_ =	shalt  }
0x4b: {  	_ =	shalt  }
0x4c: {  	_ =	shalt  }
0x4d: {  	_ =	shalt  }
0x4e: {  	_ =	shalt  }
0x4f: {  	_ =	shalt  }
0x50: {  	_ =	shalt  }
0x51: {  	_ =	shalt  }
0x52: {  	_ =	shalt  }
0x53: {  	_ =	shalt  }
0x54: {  	_ =	shalt  }
0x55: {  	_ =	shalt  }
0x56: {  	_ =	shalt  }
0x57: {  	_ =	shalt  }
0x58: {  	_ =	shalt  }
0x59: {  	_ =	shalt  }
0x5a: {  	_ =	shalt  }
0x5b: {  	_ =	shalt  }
0x5c: {  	_ =	shalt  }
0x5d: {  	_ =	shalt  }
0x5e: {  	_ =	shalt  }
0x5f: {  	_ =	shalt  }
0x60: {  	_ =	shalt  }
0x61: {  	_ =	shalt  }
0x62: {  	_ =	shalt  }
0x63: {  	_ =	shalt  }
0x64: {  	_ =	shalt  }
0x65: {  	_ =	shalt  }
0x66: {  	_ =	shalt  }
0x67: {  	_ =	shalt  }
0x68: {  	_ =	shalt  }
0x69: {  	_ =	shalt  }
0x6a: {  	_ =	shalt  }
0x6b: {  	_ =	shalt  }
0x6c: {  	_ =	shalt  }
0x6d: {  	_ =	shalt  }
0x6e: {  	_ =	shalt  }
0x6f: {  	_ =	shalt  }
0x70: {  	_ =	shalt  }
0x71: {  	_ =	shalt  }
0x72: {  	_ =	shalt  }
0x73: {  	_ =	shalt  }
0x74: {  	_ =	shalt  }
0x75: {  	_ =	shalt  }
0x76: {  	_ =	shalt  }
0x77: {  	_ =	shalt  }
0x78: {  	_ =	shalt  }
0x79: {  	_ =	shalt  }
0x7a: {  	_ =	shalt  }
0x7b: {  	_ =	shalt  }
0x7c: {  	_ =	shalt  }
0x7d: {  	_ =	shalt  }
0x7e: {  	_ =	shalt  }
0x7f: {  	_ =	shalt  }
0x80: {  	_ =	shalt  }
0x81: {  	_ =	shalt  }
0x82: {  	_ =	shalt  }
0x83: {  	_ =	shalt  }
0x84: {  	_ =	shalt  }
0x85: {  	_ =	shalt  }
0x86: {  	_ =	shalt  }
0x87: {  	_ =	shalt  }
.Lfunc_end0:
.L_simem_size_0:
called_computation.2_lowered:
.L_overlay_start_0:
0x88: {  	s2 =	sld [smem:$0x3FD9]  }
0x89: {  	s3 =	sld [smem:$0x3FFE];
	_ =	sdelay $0x1  }
0x8a: {  	s1 =	srdreg.scid  }
0x8b: {  	s0 =	sand.u32 $0x1, s1  }
0x8c: {  	s16 =	sshll.u32 s0, $0xA;
	s2 =	sadd.s32 s3, s2  }
0x8d: {  	s2 =	sadd.s32 s2, s16  }
0x8e: {  	[smem:$0x3FBB] =	sst s2  }
0x8f: {  	_ = 	snop  }
0x90: {  	(tm) =	ssettm $0x1  }
0x91: {  	s17 =	sld [smem:$0x3FFB];
	_ =	sdelay $0x3  }
0x92: {  	_ =	strace s17  }
0x93: {  	s2 =	sld [smem:$0x3FFC];
	_ =	sdelay $0x3  }
0x94: {  	_ =	strace s2  }
0x95: {  	s2 =	sld [smem:$0x3FFD];
	_ =	sdelay $0x3  }
0x96: {  	_ =	strace s2  }
0x97: {  	_ =	strace $0x8FFFFFFF  }
0x98: {  	s18 =	sld [smem:$0x3FDB];
	_ =	sdelay $0x1  }
0x99: {  	s19 =	simm.s32 $_scs_section_size  }
0x9a: {  	s4 =	simm.s32 $_size__tile_overlayer_lowered;
	s5 =	simm.s32 $_tile_overlayer_lowered  }
0x9b: {  	s22 =	simm.s32 $0x1BFF;
	s21 =	sshll.u32 s5, $0x1;
	s2 =	sadd.s32 s19, s18  }
0x9c: {  	s6 =	simm.s32 $0x0;
	s20 =	sshll.u32 s4, $0x1;
	s4 =	sadd.s32 s21, s2  }
0x9d: {  	[timem:s6], [sflag:s22] =	dma.local [hbm:s4], s20  }
0x9e: {  	_ =	swait.ge [sflag:s22], s20  }
0x9f: {  	s3 =	ssub.s32 $0x0, s20;
	[sflag:s22] =	ssyncset.done $0x0  }
0xa0: {  	[sflag:s22] =	ssyncadd.s32 s3;
	_ =	sdelay $0x1  }
0xa1: {  	s23 =	simm.s32 $0x1B8B  }
0xa2: {  	_ =	swait.ge [sflag:s23], $0x1  }
0xa3: {  	[sflag:s23] =	ssyncset.done $0x0  }
0xa4: {  	s25 =	simm.s32 $0x1B8E;
	s24 =	sld [smem:$0x3FFE];
	[sflag:s23] =	ssyncadd.s32 $0xFFFFFFFF  }
0xa5: {  	s26 =	simm.s32 $execute0_lowered;
	[smem:$0x3FD2] =	sst s25  }
0xa6: {  	s4 =	sshll.u32 s26, $0x1;
	_ =	strace $0x8000004C;
	[dreg:$0x1] =	wrdreg $0xFFFFFFFF  }
0xa7: {  	s28 =	simm.s32 $_size_execute0_lowered;
	s2 =	sadd.s32 s2, s4;
	[dreg:$0x0] =	wrdreg $0x0  }
0xa8: {  	s4 =	sshll.u32 s28, $0x1;
	[dreg:$0x2] =	wrdreg s2  }
0xa9: {  	[dreg:$0x3] =	wrdreg s4  }
0xaa: {  	[dreg:$0x4] =	wrdreg $0xC0  }
0xab: {  	_ =	task [dreg:s6], $0x5FFFF  }
0xac: {  	[dreg:$0x1] =	wrdreg $0xFFFFFFFF  }
0xad: {  	[dreg:$0x0] =	wrdreg $0x60  }
0xae: {  	[dreg:$0x2] =	wrdreg s24  }
0xaf: {  	[dreg:$0x3] =	wrdreg $0xB7800  }
0xb0: {  	[dreg:$0x4] =	wrdreg $0x9  }
0xb1: {  	_ =	task.clear_ibuf [dreg:s6], $0x5FFFF;
	_ =	strace $0x9000004C  }
0xb2: {  	s29 =	simm.s32 $0x9;
	_ =	strace $0x8000004E  }
0xb3: {  	_ =	swait.ge [sflag:s29], $0x1  }
0xb4: {  	[sflag:s29] =	ssyncadd.s32 $0xFFFFFFFF  }
0xb5: {  	_ =	strace $0x9000004E  }
0xb6: {  	_ =	sfence  }
0xb7: {  	s30 =	sld [smem:$0x0];
	_ =	sdelay $0x2  }
0xb8: {  	s31 =	sshll.u32 s1, $0xD;
	s1 =	sshrl.u32 s1, $0x2  }
0xb9: {  	s3 =	sand.u32 $0x4000, s31;
	s1 =	sadd.s32 s1, s30  }
0xba: {  	s0 =	sor.u32 s3, s0;
	s1 =	sshll.u32 s1, $0x11  }
0xbb: {  	s0 =	sor.u32 s1, s0  }
0xbc: {  	s0 =	sadd.s32 $0x8F2B, s0  }
0xbd: {  	[sflag:s0] =	ssyncadd.remote.s32 $0x1  }
0xbe: {  	_ =	sfence.sel $0xFFFF  }
0xbf: {  	[dreg:$0x0] =	wrdreg $0xFFFFFFFF;
	(pc) =	sbr.abs _section_cstart, $3  }
0xc0: {  	[dreg:$0x1] =	wrdreg $0xFFFFFFFF  }
0xc1: {  	_ =	task.clear_ibuf [dreg:s6], $0x2FFFF;
	_ =	strace $0x9FFFFFFF  }
0xc2: {  	(tm) =	ssettm $0x7FFFFFFF  }
0xc3: {  	_ =	shalt  }
tec
execute0_lowered:
.L_overlay_start_1:
0x0: {  	(tag) =	ssettag $0x1  }
0x1: {  	s1 =	srdreg.scid;
	s6 =	rddreg [dreg:$0x0]  }
0x2: {  	s0 =	stileid.u32;
	s2 =	rddreg [dreg:$0x1]  }
0x3: {  	s3 =	simm.s32 $0x0;
	s13 =	simm.s32 $0x2780;
	s14 =	simm.s32 $0x50  }
0x4: {  	s15 =	simm.s32 $0x6780;
	s18 =	simm.s32 $0x8F80;
	s19 =	simm.s32 $0x1  }
0x5: {  	s20 =	simm.s32 $0x2;
	s21 =	simm.s32 $0x6580;
	s22 =	simm.s32 $0x0  }
0x6: {  	s5 =	sand.u32 $0x1, s1;
	s28 =	sshll.u32 s0, $0x1;
	s30 =	smul.u32 $0x14000, s0  }
0x7: {  	s29 =	sshrl.u32 s0, $0x2;
	s1 =	rddreg [dreg:$0x2];
	s12 =	smul.u32 $0x50000, s0  }
0x8: {  	[smem:$0x7FF] =	sst s3;
	s16 =	sshll.u32 s0, $0x6;
	s4 =	smul.u32 $0x13C00, s29  }
0x9: {  	s7 =	sor.u32 s5, s28;
	_ =	strace $0x8000004D;
	s10 =	smul.u32 $0x140000, s5  }
0xa: {  	s5 =	ssub.s32 $0x2, s5;
	s16 =	sor.u32 $0x1C03, s16;
	s8 =	sshll.u32 s7, $0x7  }
0xb: {  	s7 =	sshll.u32 s7, $0xB;
	s11 =	sshrl.u32 s5, $0x1;
	s31 =	sshrl.u32 s12, $0x2  }
0xc: {  	s12 =	simm.s32 $0x3;
	s8 =	sand.u32 $0x380, s8;
	s7 =	sadd.s32 s7, s6  }
0xd: {  	s10 =	sadd.s32 s30, s10;
	s11 =	ssub.s32 s5, s11;
	s17 =	sadd.s32 s31, s2  }
0xe: {  	s4 =	sor.u32 s4, s8;
	s10 =	sshrl.u32 s10, $0x3;
	s8 =	sshrl.u32 s30, $0x3  }
0xf: {  	s17 =	sshrl.u32 s17, $0x3;
	s9 =	sshrl.u32 s4, $0x3;
	s4 =	sadd.s32 $0x1E600, s6  }
0x10: {  	s10 =	sadd.s32 s10, s6;
	s9 =	sadd.s32 s9, s6;
	s6 =	sadd.s32 $0x3E00, s7  }
0x11: {  	s7 =	sadd.s32 s4, s8;
	s8 =	sadd.s32 $0x46600, s10;
	s10 =	simm.s32 $0x80  }
0x12: {  	s5 =	sadd.s32 $0x14800, s9;
	s9 =	smax.u32 s11, $0x1;
	s11 =	simm.s32 $0x400  }
.LBB2_1:
0x13: {  	[tilespmem:s3], [sflag:$0x3] =	stream.strided.gather [hbm4b:s5+s10], $0x2780, s11, s10, $0x38;
	[tilespmem:$0x1F780] =	vst v63  }
0x14: {  	_ =	swait.ge [sflag:s12], $0x2780  }
0x15: {  	[sflag:s12] =	ssyncset.done $0x0  }
0x16: {  	[sflag:s12] =	ssyncadd.s32 $0xFFFFD880  }
0x17: {  	[tilespmem:s13], [sflag:$0x3] =	stream.linear.gather [hbm4b:s6+s3], $0x3E80, $0x38;
	[tilespmem:$0x1F780] =	vst v63  }
0x18: {  	_ =	swait.ge [sflag:s12], $0x3E80  }
0x19: {  	[sflag:s12] =	ssyncset.done $0x0  }
0x1a: {  	[sflag:s12] =	ssyncadd.s32 $0xFFFFC180  }
0x1b: {  	[tilespmem:s15], [sflag:$0x1] =	stream.indirect.gather [hbm4b:s4+s14], $0x80, s3, s14, $0xb8;
	[tilespmem:$0x1F780] =	vst v63  }
0x1c: {  	[spmem:s17], [sflag:s16] =	dma.local [hbm:s7], $0x2800  }
0x1d: {  	_ =	swait.ge [sflag:s12], $0x2800  }
0x1e: {  	[sflag:s12] =	ssyncset.done $0x0  }
0x1f: {  	[sflag:s12] =	ssyncadd.s32 $0xFFFFD800  }
0x20: {  	s23 =	simm.s32 $0x50;
	[bflag:$0x0] =	sbarrier.arrive $0xFFFF  }
0x21: {  	[tilespmem:s18], [sflag:$0x2] =	stream.indirect.gather [hbm4b:s4+s14], $0x80, s23, s14, $0xb8;
	[tilespmem:$0x1F780] =	vst v63  }
0x22: {  	_ =	swait.ge [sflag:s19], $0x2800  }
0x23: {  	[sflag:s19] =	ssyncset.done $0x0  }
0x24: {  	s29 =	simm.s32 $0x2780;
	[sflag:s19] =	ssyncadd.s32 $0xFFFFD800  }
0x25: {  	[spmem:s2] =	stream.indirect.scatter.add.f32 [tilespmem:s15], [sflag:$0x3], $0x80, s29, s14, $0xb8;
	[tilespmem:$0x1F780] =	vst v63  }
0x26: {  	_ =	swait.ge [sflag:s12], $0x2800  }
0x27: {  	[sflag:s12] =	ssyncset.done $0x0  }
0x28: {  	s30 =	simm.s32 $0xA0;
	[sflag:s12] =	ssyncadd.s32 $0xFFFFD800  }
0x29: {  	[tilespmem:s15], [sflag:$0x1] =	stream.indirect.gather [hbm4b:s4+s14], $0x80, s30, s14, $0xb8;
	[tilespmem:$0x1F780] =	vst v63  }
0x2a: {  	_ =	swait.ge [sflag:s20], $0x2800  }
0x2b: {  	[sflag:s20] =	ssyncset.done $0x0  }
0x2c: {  	s31 =	simm.s32 $0x2800;
	[sflag:s20] =	ssyncadd.s32 $0xFFFFD800  }
0x2d: {  	[spmem:s2] =	stream.indirect.scatter.add.f32 [tilespmem:s18], [sflag:$0x3], $0x80, s31, s14, $0xb8;
	[tilespmem:$0x1F780] =	vst v63  }
0x2e: {  	s24 =	simm.s32 $0x400;
	_ =	swait.ge [sflag:s12], $0x2800  }
0x2f: {  	s25 =	simm.s32 $0x800;
	s23 =	simm.s32 $0x140;
	[sflag:s12] =	ssyncset.done $0x0  }
.LBB2_2:
0x30: {  	p0 =	sne.s32 s25, $0xF400;
	s26 =	sadd.s32 $0xFFFFFFB0, s23;
	[sflag:s12] =	ssyncadd.s32 $0xFFFFD800  }
0x31: {  	[tilespmem:s18], [sflag:$0x2] =	stream.indirect.gather [hbm4b:s4+s14], $0x80, s26, s14, $0xb8;
	[tilespmem:$0x1F780] =	vst v63  }
0x32: {  	s26 =	smov.u32 s25;
	s25 =	sadd.s32 $0x400, s25;
	_ =	swait.ge [sflag:s19], $0x2800  }
0x33: {  	s28 =	sshra.s32 s24, $0x2;
	s24 =	smov.u32 s26;
	[sflag:s19] =	ssyncset.done $0x0  }
0x34: {  	s26 =	sadd.s32 $0x2780, s28;
	[sflag:s19] =	ssyncadd.s32 $0xFFFFD800  }
0x35: {  	[spmem:s2] =	stream.indirect.scatter.add.f32 [tilespmem:s15], [sflag:$0x3], $0x80, s26, s14, $0xb8;
	[tilespmem:$0x1F780] =	vst v63  }
0x36: {  	_ =	swait.ge [sflag:s12], $0x2800  }
0x37: {  	[sflag:s12] =	ssyncset.done $0x0  }
0x38: {  	[sflag:s12] =	ssyncadd.s32 $0xFFFFD800  }
0x39: {  	[tilespmem:s15], [sflag:$0x1] =	stream.indirect.gather [hbm4b:s4+s14], $0x80, s23, s14, $0xb8;
	[tilespmem:$0x1F780] =	vst v63  }
0x3a: {  	_ =	swait.ge [sflag:s20], $0x2800  }
.Ltmp0:
0x3b: {  	[sflag:s20] =	ssyncset.done $0x0;
	(pc) =	sbr.rel @p0 .LBB2_2-.Ltmp0, $4  }
0x3c: {  	s26 =	sadd.s32 $0x2800, s28;
	[sflag:s20] =	ssyncadd.s32 $0xFFFFD800  }
0x3d: {  	[spmem:s2] =	stream.indirect.scatter.add.f32 [tilespmem:s18], [sflag:$0x3], $0x80, s26, s14, $0xb8;
	[tilespmem:$0x1F780] =	vst v63  }
0x3e: {  	_ =	swait.ge [sflag:s12], $0x2800  }
0x3f: {  	s23 =	sadd.s32 $0xA0, s23;
	[sflag:s12] =	ssyncset.done $0x0  }
0x40: {  	s25 =	sadd.s32 $0xFFFFFFB0, s23;
	[sflag:s12] =	ssyncadd.s32 $0xFFFFD800  }
0x41: {  	[tilespmem:s18], [sflag:$0x2] =	stream.indirect.gather [hbm4b:s4+s14], $0x80, s25, s14, $0xb8;
	[tilespmem:$0x1F780] =	vst v63  }
0x42: {  	_ =	swait.ge [sflag:s19], $0x2800  }
0x43: {  	s24 =	sshra.s32 s24, $0x2;
	[sflag:s19] =	ssyncset.done $0x0  }
0x44: {  	s30 =	sadd.s32 $0x2780, s24;
	[sflag:s19] =	ssyncadd.s32 $0xFFFFD800  }
0x45: {  	[spmem:s2] =	stream.indirect.scatter.add.f32 [tilespmem:s15], [sflag:$0x3], $0x80, s30, s14, $0xb8;
	[tilespmem:$0x1F780] =	vst v63  }
0x46: {  	_ =	swait.ge [sflag:s12], $0x2800  }
0x47: {  	[sflag:s12] =	ssyncset.done $0x0  }
0x48: {  	[sflag:s12] =	ssyncadd.s32 $0xFFFFD800  }
0x49: {  	[tilespmem:s15], [sflag:$0x1] =	stream.indirect.gather [hbm4b:s4+s14], $0x80, s23, s14, $0xb8;
	[tilespmem:$0x1F780] =	vst v63  }
0x4a: {  	_ =	swait.ge [sflag:s20], $0x2800  }
0x4b: {  	[sflag:s20] =	ssyncset.done $0x0  }
0x4c: {  	s31 =	sadd.s32 $0x2800, s24;
	[sflag:s20] =	ssyncadd.s32 $0xFFFFD800  }
0x4d: {  	[spmem:s2] =	stream.indirect.scatter.add.f32 [tilespmem:s18], [sflag:$0x3], $0x80, s31, s14, $0xb8;
	[tilespmem:$0x1F780] =	vst v63  }
0x4e: {  	_ =	swait.ge [sflag:s12], $0x2800  }
0x4f: {  	[sflag:s12] =	ssyncset.done $0x0  }
0x50: {  	[sflag:s12] =	ssyncadd.s32 $0xFFFFD800  }
0x51: {  	_ =	swait.ge [sflag:s19], $0x2800  }
0x52: {  	[sflag:s19] =	ssyncset.done $0x0  }
0x53: {  	[sflag:s19] =	ssyncadd.s32 $0xFFFFD800  }
0x54: {  	[spmem:s2] =	stream.indirect.scatter.add.f32 [tilespmem:s15], [sflag:$0x3], $0x80, s21, s14, $0xb8;
	[tilespmem:$0x1F780] =	vst v63  }
0x55: {  	_ =	swait.ge [sflag:s12], $0x2800  }
0x56: {  	s22 =	sadd.s32 $0x1, s22;
	[sflag:s12] =	ssyncset.done $0x0  }
0x57: {  	p0 =	sne.s32 s22, s9;
	[sflag:s12] =	ssyncadd.s32 $0xFFFFD800  }
.Ltmp1:
0x58: {  	[bflag:$0x0] =	sbarrier.arrive $0xFFFF;
	(pc) =	sbr.rel @p0 .LBB2_1-.Ltmp1, $4  }
0x59: {  	[hbm:s8], [sflag:s16] =	dma.local [spmem:s17], $0x2800  }
0x5a: {  	_ =	swait.ge [sflag:s12], $0x2800  }
0x5b: {  	[sflag:s12] =	ssyncset.done $0x0  }
0x5c: {  	[sflag:s12] =	ssyncadd.s32 $0xFFFFD800  }
0x5d: {  	_ =	sfence.sel $0x180000  }
0x5e: {  	[bflag:$0x0] =	sbarrier.arrive $0xFFFF  }
0x5f: {  	p0 =	sne.s32 s0, $0x0;
	_ =	strace $0x9000004D  }
0x60: {  	s0 =	sadd.s32 @!p0 $0x100000, s1;
	[bflag:$0x2] =	sbarrier.arrive $0xFFFF  }
0x61: {  	[sflag:s0] =	ssyncadd.tile.s32 @!p0 $0x1;
	_ =	shalt  }
.Lfunc_end2:
_tile_overlayer_lowered:
.L_overlay_start_2:
0x62: {  	(tag) =	ssettag $0x2  }
0x63: {  	s0 =	rddreg [dreg:$0x0];
	s2 =	stileid.u32  }
0x64: {  	s1 =	rddreg [dreg:$0x1];
	p0 =	sne.s32 s2, $0x0  }
0x65: {  	s3 =	rddreg [dreg:$0x2];
	[bflag:$0x3] =	sbarrier.arrive $0xFFFF;
	s2 =	simm.s32 @!p0 $0x1C03  }
0x66: {  	[timem:s3], [sflag:s2] =	dma.local @!p0 [hbm:s0], s1  }
0x67: {  	s0 =	simm.s32 @!p0 $0x3  }
0x68: {  	_ =	swait.ge @!p0 [sflag:s0], s1  }
0x69: {  	s1 =	ssub.s32 @!p0 $0x0, s1;
	[sflag:s0] =	ssyncset.done @!p0 $0x0  }
0x6a: {  	[sflag:s0] =	ssyncadd.s32 @!p0 s1  }
0x6b: {  	[bflag:$0x3] =	sbarrier.arrive $0xFFFF  }
0x6c: {  	_ =	shalt  }

// kernel: kernel.20.cloned.1.call-start
scs
__scs_entry_jumppad:
0x0: {  	(pc) =	sbr.rel $0x88, $3  }
0x1: {  	(tag) =	ssettag $0x0;
	lr =	simm.s32 $0x1  }
0x2: {  	[smem:$0x3F94] =	sst lr;
	_ =	strace $0xD0000000  }
0x3: {  	_ = 	snop  }
0x4: {  	_ = 	snop  }
0x5: {  	_ = 	snop  }
0x6: {  	_ = 	snop  }
0x7: {  	_ = 	snop  }
__scs_overlays_trampoline_lowered:
0x8: {  	[smem:$0x3FA3] =	sst s0  }
0x9: {  	[smem:$0x3FA4] =	sst s1  }
0xa: {  	[smem:$0x3FA5] =	sst s2  }
0xb: {  	[smem:$0x3FA6] =	sst s3  }
0xc: {  	[smem:$0x3FA7] =	sst s4  }
0xd: {  	[smem:$0x3FA8] =	sst s5  }
0xe: {  	[smem:$0x3FA9] =	sst s6  }
0xf: {  	[smem:$0x3FAA] =	sst s7  }
0x10: {  	[smem:$0x3FAB] =	sst s8  }
0x11: {  	[smem:$0x3FAC] =	sst s9;
	s0 =	simm.s32 @!p0 $0x0  }
0x12: {  	s1 =	sld [smem:$0x3F92];
	s0 =	simm.s32 @p0 $0x1  }
0x13: {  	[smem:$0x3FAD] =	sst s0;
	s0 =	simm.s32 @!p1 $0x0  }
0x14: {  	s2 =	sld [smem:$0x3F91];
	s0 =	simm.s32 @p1 $0x1  }
0x15: {  	[smem:$0x3FAE] =	sst s0;
	s0 =	simm.s32 @!p2 $0x0  }
0x16: {  	s3 =	sld [smem:$0x3FDB];
	s0 =	simm.s32 @p2 $0x1  }
0x17: {  	s4 =	simm.s32 $0x1BF5;
	[smem:$0x3FB0] =	sst s0  }
0x18: {  	s0 =	sld [smem:$0x3F93];
	_ =	swait.ge [sflag:s4], $0x0  }
0x19: {  	s7 =	sld [smem:$0x3F94]  }
0x1a: {  	s8 =	sadd.s32 $0xFFFFE003, lr  }
0x1b: {  	s9 =	sadd.s32 $0xFFFFFEF7, lr;
	s5 =	simm.s32 $0xFFFFFFFF;
	p2 =	slt.u32 s8, $0xFFFFF086  }
0x1c: {  	p1 =	slt.u32 s9, $0xF7A;
	s5 =	simm.s32 @!p2 $0x0  }
0x1d: {  	s5 =	simm.s32 @p1 $0x1;
	p0 =	seq.s32 s7, s2  }
0x1e: {  	s7 =	smul.u32 @!p0 $0xF7A, s2;
	p2 =	seq.s32 @!p0 s5, $0x0  }
0x1f: {  	s9 =	smul.u32 $0xF7A, s1;
	s8 =	simm.s32 @!p0 $0x1BF5;
	p2 =	por !p2, p0  }
0x20: {  	[sflag:s8] =	ssyncset.s32 @!p0 $0xFFFFF086;
	s6 =	sadd.s32 @!p0 s3, s7;
	s7 =	simm.s32 @!p0 $0x108  }
0x21: {  	s3 =	sadd.s32 s3, s9;
	s6 =	sadd.s32 @!p0 $0x88, s6;
	s7 =	simm.s32 @p2 $0x1082  }
0x22: {  	[simem:s7], [sflag:s8] =	dma.local @!p0 [hbm:s6], $0xF7A  }
0x23: {  	s9 =	sor.u32 $0xD0000000, s2;
	s6 =	simm.s32 $0x108;
	_ =	swait.ge @!p0 [sflag:s8], $0x0  }
0x24: {  	s3 =	sadd.s32 $0x88, s3;
	s6 =	simm.s32 @!p1 $0x1082;
	[sflag:s4] =	ssyncset.s32 $0xFFFFF086  }
0x25: {  	[simem:s6], [sflag:s4] =	dma.local [hbm:s3], $0xF7A  }
0x26: {  	[smem:$0x3F94] =	sst s1;
	(tag) =	ssettag s2;
	_ =	strace s9  }
0x27: {  	s1 =	sld [smem:$0x3FA4]  }
0x28: {  	s2 =	sld [smem:$0x3FA5]  }
0x29: {  	s4 =	sld [smem:$0x3FA7]  }
0x2a: {  	p0 =	seq.s32 s5, $0x0;
	s5 =	sld [smem:$0x3FA8]  }
0x2b: {  	s6 =	sld [smem:$0x3FA9]  }
0x2c: {  	s7 =	sld [smem:$0x3FAA]  }
0x2d: {  	s3 =	simm.s32 $0x108;
	s8 =	sld [smem:$0x3FAB]  }
0x2e: {  	s3 =	simm.s32 @!p0 $0x1082;
	s9 =	sld [smem:$0x3FAC]  }
0x2f: {  	lr =	sadd.s32 s0, s3;
	s0 =	sld [smem:$0x3FA3]  }
0x30: {  	s3 =	sld [smem:$0x3FA6]  }
0x31: {  	[smem:$0x3FAF] =	sst s10  }
0x32: {  	s10 =	sld [smem:$0x3FAD];
	_ =	sdelay $0x3  }
0x33: {  	p0 =	seq.s32 s10, $0x1;
	s10 =	sld [smem:$0x3FAF];
	_ =	sdelay $0x3  }
0x34: {  	[smem:$0x3FAF] =	sst s10  }
0x35: {  	s10 =	sld [smem:$0x3FAE];
	_ =	sdelay $0x3  }
0x36: {  	p1 =	seq.s32 s10, $0x1;
	s10 =	sld [smem:$0x3FAF];
	_ =	sdelay $0x3  }
0x37: {  	[smem:$0x3FAF] =	sst s10  }
0x38: {  	s10 =	sld [smem:$0x3FB0]  }
0x39: {  	_ = 	snop;
	(pc) =	sbr.ind lr, $3  }
0x3a: {  	_ = 	snop  }
0x3b: {  	_ = 	snop  }
0x3c: {  	p2 =	seq.s32 s10, $0x1;
	s10 =	sld [smem:$0x3FAF]  }
0x3d: {  	_ =	shalt  }
0x3e: {  	_ =	shalt  }
0x3f: {  	_ =	shalt  }
0x40: {  	_ =	shalt  }
0x41: {  	_ =	shalt  }
0x42: {  	_ =	shalt  }
0x43: {  	_ =	shalt  }
0x44: {  	_ =	shalt  }
0x45: {  	_ =	shalt  }
0x46: {  	_ =	shalt  }
0x47: {  	_ =	shalt  }
0x48: {  	_ =	shalt  }
0x49: {  	_ =	shalt  }
0x4a: {  	_ =	shalt  }
0x4b: {  	_ =	shalt  }
0x4c: {  	_ =	shalt  }
0x4d: {  	_ =	shalt  }
0x4e: {  	_ =	shalt  }
0x4f: {  	_ =	shalt  }
0x50: {  	_ =	shalt  }
0x51: {  	_ =	shalt  }
0x52: {  	_ =	shalt  }
0x53: {  	_ =	shalt  }
0x54: {  	_ =	shalt  }
0x55: {  	_ =	shalt  }
0x56: {  	_ =	shalt  }
0x57: {  	_ =	shalt  }
0x58: {  	_ =	shalt  }
0x59: {  	_ =	shalt  }
0x5a: {  	_ =	shalt  }
0x5b: {  	_ =	shalt  }
0x5c: {  	_ =	shalt  }
0x5d: {  	_ =	shalt  }
0x5e: {  	_ =	shalt  }
0x5f: {  	_ =	shalt  }
0x60: {  	_ =	shalt  }
0x61: {  	_ =	shalt  }
0x62: {  	_ =	shalt  }
0x63: {  	_ =	shalt  }
0x64: {  	_ =	shalt  }
0x65: {  	_ =	shalt  }
0x66: {  	_ =	shalt  }
0x67: {  	_ =	shalt  }
0x68: {  	_ =	shalt  }
0x69: {  	_ =	shalt  }
0x6a: {  	_ =	shalt  }
0x6b: {  	_ =	shalt  }
0x6c: {  	_ =	shalt  }
0x6d: {  	_ =	shalt  }
0x6e: {  	_ =	shalt  }
0x6f: {  	_ =	shalt  }
0x70: {  	_ =	shalt  }
0x71: {  	_ =	shalt  }
0x72: {  	_ =	shalt  }
0x73: {  	_ =	shalt  }
0x74: {  	_ =	shalt  }
0x75: {  	_ =	shalt  }
0x76: {  	_ =	shalt  }
0x77: {  	_ =	shalt  }
0x78: {  	_ =	shalt  }
0x79: {  	_ =	shalt  }
0x7a: {  	_ =	shalt  }
0x7b: {  	_ =	shalt  }
0x7c: {  	_ =	shalt  }
0x7d: {  	_ =	shalt  }
0x7e: {  	_ =	shalt  }
0x7f: {  	_ =	shalt  }
0x80: {  	_ =	shalt  }
0x81: {  	_ =	shalt  }
0x82: {  	_ =	shalt  }
0x83: {  	_ =	shalt  }
0x84: {  	_ =	shalt  }
0x85: {  	_ =	shalt  }
0x86: {  	_ =	shalt  }
0x87: {  	_ =	shalt  }
.Lfunc_end0:
.L_simem_size_0:
called_computation.3_lowered:
.L_overlay_start_0:
0x88: {  	s2 =	sld [smem:$0x3FD9]  }
0x89: {  	s3 =	sld [smem:$0x3FFE];
	_ =	sdelay $0x1  }
0x8a: {  	s1 =	srdreg.scid  }
0x8b: {  	s0 =	sand.u32 $0x1, s1  }
0x8c: {  	s17 =	sshll.u32 s0, $0xA;
	s2 =	sadd.s32 s3, s2  }
0x8d: {  	s2 =	sadd.s32 s2, s17  }
0x8e: {  	[smem:$0x3FBB] =	sst s2  }
0x8f: {  	_ = 	snop  }
0x90: {  	s2 =	sld [smem:$0x3FD0];
	(tm) =	ssettm $0x1  }
0x91: {  	s18 =	sld [smem:$0x3FFB];
	_ =	sdelay $0x3  }
0x92: {  	_ =	strace s18  }
0x93: {  	s3 =	sld [smem:$0x3FFC];
	_ =	sdelay $0x3  }
0x94: {  	_ =	strace s3  }
0x95: {  	s3 =	sld [smem:$0x3FFD];
	_ =	sdelay $0x3  }
0x96: {  	_ =	strace s3  }
0x97: {  	_ =	strace $0x8FFFFFFF  }
0x98: {  	s19 =	sld [smem:$0x3FDB];
	_ =	sdelay $0x1  }
0x99: {  	s4 =	simm.s32 $_scs_section_size  }
0x9a: {  	s5 =	simm.s32 $_size__tile_overlayer_lowered;
	s6 =	simm.s32 $_tile_overlayer_lowered  }
0x9b: {  	s22 =	simm.s32 $0x1BFF;
	s21 =	sshll.u32 s6, $0x1;
	s3 =	sadd.s32 s4, s19  }
0x9c: {  	s7 =	simm.s32 $0x0;
	s20 =	sshll.u32 s5, $0x1;
	s5 =	sadd.s32 s21, s3  }
0x9d: {  	[timem:s7], [sflag:s22] =	dma.local [hbm:s5], s20  }
0x9e: {  	_ =	swait.ge [sflag:s22], s20  }
0x9f: {  	s4 =	ssub.s32 $0x0, s20;
	[sflag:s22] =	ssyncset.done $0x0  }
0xa0: {  	[sflag:s22] =	ssyncadd.s32 s4;
	_ =	sdelay $0x1  }
0xa1: {  	s23 =	simm.s32 $0x1B8B  }
0xa2: {  	_ =	swait.ge [sflag:s23], $0x1  }
0xa3: {  	[sflag:s23] =	ssyncset.done $0x0  }
0xa4: {  	s25 =	simm.s32 $0x1B8E;
	s24 =	sld [smem:$0x3FFE];
	[sflag:s23] =	ssyncadd.s32 $0xFFFFFFFF  }
0xa5: {  	s26 =	simm.s32 $execute0_lowered;
	[smem:$0x3FD2] =	sst s25  }
0xa6: {  	s5 =	sshll.u32 s26, $0x1;
	_ =	strace $0x8000004F;
	[dreg:$0x1] =	wrdreg $0xFFFFFFFF  }
0xa7: {  	s28 =	simm.s32 $_size_execute0_lowered;
	s3 =	sadd.s32 s3, s5;
	[dreg:$0x0] =	wrdreg $0x0  }
0xa8: {  	s5 =	sshll.u32 s28, $0x1;
	[dreg:$0x2] =	wrdreg s3  }
0xa9: {  	[dreg:$0x3] =	wrdreg s5  }
0xaa: {  	[dreg:$0x4] =	wrdreg $0xC0  }
0xab: {  	_ =	task [dreg:s7], $0x5FFFF  }
0xac: {  	[dreg:$0x1] =	wrdreg $0xFFFFFFFF  }
0xad: {  	[dreg:$0x0] =	wrdreg $0x60  }
0xae: {  	[dreg:$0x2] =	wrdreg s24  }
0xaf: {  	[dreg:$0x3] =	wrdreg s2  }
0xb0: {  	[dreg:$0x4] =	wrdreg $0x9  }
0xb1: {  	_ =	task.clear_ibuf [dreg:s7], $0x5FFFF;
	_ =	strace $0x9000004F  }
0xb2: {  	s29 =	simm.s32 $0x9;
	_ =	strace $0x80000051  }
0xb3: {  	_ =	swait.ge [sflag:s29], $0x1  }
0xb4: {  	[sflag:s29] =	ssyncadd.s32 $0xFFFFFFFF  }
0xb5: {  	_ =	strace $0x90000051  }
0xb6: {  	_ =	sfence  }
0xb7: {  	s30 =	sld [smem:$0x0];
	_ =	sdelay $0x2  }
0xb8: {  	s31 =	sshll.u32 s1, $0xD;
	s1 =	sshrl.u32 s1, $0x2  }
0xb9: {  	s3 =	sand.u32 $0x4000, s31;
	s1 =	sadd.s32 s1, s30  }
0xba: {  	s0 =	sor.u32 s3, s0;
	s1 =	sshll.u32 s1, $0x11  }
0xbb: {  	s0 =	sor.u32 s1, s0  }
0xbc: {  	s0 =	sadd.s32 $0x8F2B, s0  }
0xbd: {  	[sflag:s0] =	ssyncadd.remote.s32 $0x1  }
0xbe: {  	_ =	sfence.sel $0xFFFF  }
0xbf: {  	[dreg:$0x0] =	wrdreg $0xFFFFFFFF;
	(pc) =	sbr.abs _section_cstart, $3  }
0xc0: {  	[dreg:$0x1] =	wrdreg $0xFFFFFFFF  }
0xc1: {  	_ =	task.clear_ibuf [dreg:s7], $0x2FFFF;
	_ =	strace $0x9FFFFFFF  }
0xc2: {  	(tm) =	ssettm $0x7FFFFFFF  }
0xc3: {  	_ =	shalt  }
tec
execute0_lowered:
.L_overlay_start_1:
0x0: {  	(tag) =	ssettag $0x1  }
0x1: {  	s1 =	srdreg.scid  }
0x2: {  	s0 =	stileid.u32;
	s20 =	sand.u32 $0x1, s1  }
0x3: {  	s19 =	rddreg [dreg:$0x0];
	s30 =	sshll.u32 s0, $0x9;
	s2 =	sshll.u32 s20, $0x8  }
0x4: {  	s5 =	rddreg [dreg:$0x1];
	s16 =	sor.u32 s2, s30  }
0x5: {  	s1 =	rddreg [dreg:$0x2];
	s2 =	simm.s32 $0x0;
	s6 =	sshrl.u32 s16, $0x3  }
0x6: {  	[smem:$0x7FF] =	sst s2;
	s3 =	sadd.s32 s6, s19  }
0x7: {  	_ =	strace $0x80000050;
	s4 =	sadd.s32 $0x13E00, s3;
	s3 =	simm.s32 $0x3  }
0x8: {  	[tilespmem:s2], [sflag:$0x3] =	stream.linear.gather [hbm4b:s4+s2], $0x100, $0x38;
	[tilespmem:$0x10200] =	vst v63  }
0x9: {  	_ =	swait.ge [sflag:s3], $0x100  }
0xa: {  	[sflag:s3] =	ssyncset.done $0x0  }
0xb: {  	s5 =	sadd.s32 s5, s6;
	s6 =	simm.s32 $0x100;
	[sflag:s3] =	ssyncadd.s32 $0xFFFFFF00  }
0xc: {  	[tilespmem:s6], [sflag:$0x3] =	stream.linear.gather [hbm4b:s5+s2], $0x100, $0x38;
	[tilespmem:$0x10200] =	vst v63  }
0xd: {  	_ =	swait.ge [sflag:s3], $0x100  }
0xe: {  	s8 =	simm.s32 $0x80;
	[sflag:s3] =	ssyncset.done $0x0  }
0xf: {  	s9 =	simm.s32 $0x200;
	s7 =	sadd.s32 $0x14200, s19;
	[sflag:s3] =	ssyncadd.s32 $0xFFFFFF00  }
0x10: {  	[tilespmem:s9], [sflag:$0x1] =	stream.indirect.gather [hbm4b:s7+s8], $0x80, s2, s8, $0xb8;
	[tilespmem:$0x10200] =	vst v63  }
0x11: {  	s10 =	simm.s32 $0x4200  }
0x12: {  	[tilespmem:s10], [sflag:$0x1] =	stream.indirect.gather [hbm4b:s7+s8], $0x80, s8, s8, $0xb8;
	[tilespmem:$0x10200] =	vst v63  }
0x13: {  	s12 =	simm.s32 $0x8200;
	s11 =	sadd.s32 $0x3C200, s19  }
0x14: {  	[tilespmem:s12], [sflag:$0x2] =	stream.indirect.gather [hbm4b:s11+s8], $0x80, s6, s8, $0xb8;
	[tilespmem:$0x10200] =	vst v63  }
0x15: {  	s13 =	simm.s32 $0x180;
	s14 =	simm.s32 $0xC200;
	s15 =	simm.s32 $0x1  }
0x16: {  	[tilespmem:s14], [sflag:$0x2] =	stream.indirect.gather [hbm4b:s11+s8], $0x80, s13, s8, $0xb8;
	[tilespmem:$0x10200] =	vst v63  }
0x17: {  	_ =	swait.ge [sflag:s15], $0x4000  }
0x18: {  	s17 =	sadd.s32 $0x64200, s19;
	s21 =	sshll.u32 s16, $0x4;
	[sflag:s15] =	ssyncset.done $0x0  }
0x19: {  	s16 =	sadd.s32 s17, s21;
	[sflag:s15] =	ssyncadd.s32 $0xFFFFC000  }
0x1a: {  	[hbm4b:s16+s2] =	stream.linear.scatter [tilespmem:s9], [sflag:$0x3], $0x4000, $0x38;
	[tilespmem:$0x10200] =	vst v63  }
0x1b: {  	_ =	swait.ge [sflag:s3], $0x4000  }
0x1c: {  	[sflag:s3] =	ssyncset.done $0x0  }
0x1d: {  	[sflag:s3] =	ssyncadd.s32 $0xFFFFC000  }
0x1e: {  	_ =	swait.ge [sflag:s15], $0x4000  }
0x1f: {  	s22 =	sor.u32 $0x800, s21;
	[sflag:s15] =	ssyncset.done $0x0  }
0x20: {  	s17 =	sadd.s32 s17, s22;
	[sflag:s15] =	ssyncadd.s32 $0xFFFFC000  }
0x21: {  	[hbm4b:s17+s2] =	stream.linear.scatter [tilespmem:s10], [sflag:$0x3], $0x4000, $0x38;
	[tilespmem:$0x10200] =	vst v63  }
0x22: {  	_ =	swait.ge [sflag:s3], $0x4000  }
0x23: {  	[sflag:s3] =	ssyncset.done $0x0  }
0x24: {  	s18 =	simm.s32 $0x2;
	[sflag:s3] =	ssyncadd.s32 $0xFFFFC000  }
0x25: {  	_ =	swait.ge [sflag:s18], $0x4000  }
0x26: {  	s23 =	sadd.s32 $0x84200, s19;
	[sflag:s18] =	ssyncset.done $0x0  }
0x27: {  	s20 =	ssub.s32 $0x2, s20;
	s19 =	sadd.s32 s23, s21;
	[sflag:s18] =	ssyncadd.s32 $0xFFFFC000  }
0x28: {  	[hbm4b:s19+s2] =	stream.linear.scatter [tilespmem:s12], [sflag:$0x3], $0x4000, $0x38;
	[tilespmem:$0x10200] =	vst v63  }
0x29: {  	s31 =	sshrl.u32 s20, $0x1;
	_ =	swait.ge [sflag:s3], $0x4000  }
0x2a: {  	s21 =	ssub.s32 s20, s31;
	[sflag:s3] =	ssyncset.done $0x0  }
0x2b: {  	s21 =	smax.u32 s21, $0x1;
	[sflag:s3] =	ssyncadd.s32 $0xFFFFC000  }
0x2c: {  	p0 =	sne.s32 s21, $0x1;
	_ =	swait.ge [sflag:s18], $0x4000  }
.Ltmp0:
0x2d: {  	[sflag:s18] =	ssyncset.done $0x0;
	(pc) =	sbr.rel @!p0 .LBB2_2-.Ltmp0, $4  }
0x2e: {  	s20 =	sadd.s32 s23, s22;
	[sflag:s18] =	ssyncadd.s32 $0xFFFFC000  }
0x2f: {  	[hbm4b:s20+s2] =	stream.linear.scatter [tilespmem:s14], [sflag:$0x3], $0x4000, $0x38;
	[tilespmem:$0x10200] =	vst v63  }
0x30: {  	_ =	swait.ge [sflag:s3], $0x4000  }
0x31: {  	s21 =	sadd.s32 $0xFFFFFFFF, s21;
	[sflag:s3] =	ssyncset.done $0x0  }
.LBB2_1:
0x32: {  	p0 =	sne.s32 s21, $0x1;
	s21 =	sadd.s32 $0xFFFFFFFF, s21;
	[sflag:s3] =	ssyncadd.s32 $0xFFFFC000  }
0x33: {  	[tilespmem:s2], [sflag:$0x3] =	stream.linear.gather [hbm4b:s4+s2], $0x100, $0x38;
	[tilespmem:$0x10200] =	vst v63  }
0x34: {  	_ =	swait.ge [sflag:s3], $0x100  }
0x35: {  	[sflag:s3] =	ssyncset.done $0x0  }
0x36: {  	[sflag:s3] =	ssyncadd.s32 $0xFFFFFF00  }
0x37: {  	[tilespmem:s6], [sflag:$0x3] =	stream.linear.gather [hbm4b:s5+s2], $0x100, $0x38;
	[tilespmem:$0x10200] =	vst v63  }
0x38: {  	_ =	swait.ge [sflag:s3], $0x100  }
0x39: {  	[sflag:s3] =	ssyncset.done $0x0  }
0x3a: {  	[sflag:s3] =	ssyncadd.s32 $0xFFFFFF00  }
0x3b: {  	[tilespmem:s9], [sflag:$0x1] =	stream.indirect.gather [hbm4b:s7+s8], $0x80, s2, s8, $0xb8;
	[tilespmem:$0x10200] =	vst v63  }
0x3c: {  	_ = 	snop  }
0x3d: {  	[tilespmem:s10], [sflag:$0x1] =	stream.indirect.gather [hbm4b:s7+s8], $0x80, s8, s8, $0xb8;
	[tilespmem:$0x10200] =	vst v63  }
0x3e: {  	_ = 	snop  }
0x3f: {  	[tilespmem:s12], [sflag:$0x2] =	stream.indirect.gather [hbm4b:s11+s8], $0x80, s6, s8, $0xb8;
	[tilespmem:$0x10200] =	vst v63  }
0x40: {  	_ = 	snop  }
0x41: {  	[tilespmem:s14], [sflag:$0x2] =	stream.indirect.gather [hbm4b:s11+s8], $0x80, s13, s8, $0xb8;
	[tilespmem:$0x10200] =	vst v63  }
0x42: {  	_ =	swait.ge [sflag:s15], $0x4000  }
0x43: {  	[sflag:s15] =	ssyncset.done $0x0  }
0x44: {  	[sflag:s15] =	ssyncadd.s32 $0xFFFFC000  }
0x45: {  	[hbm4b:s16+s2] =	stream.linear.scatter [tilespmem:s9], [sflag:$0x3], $0x4000, $0x38;
	[tilespmem:$0x10200] =	vst v63  }
0x46: {  	_ =	swait.ge [sflag:s3], $0x4000  }
0x47: {  	[sflag:s3] =	ssyncset.done $0x0  }
0x48: {  	[sflag:s3] =	ssyncadd.s32 $0xFFFFC000  }
0x49: {  	_ =	swait.ge [sflag:s15], $0x4000  }
0x4a: {  	[sflag:s15] =	ssyncset.done $0x0  }
0x4b: {  	[sflag:s15] =	ssyncadd.s32 $0xFFFFC000  }
0x4c: {  	[hbm4b:s17+s2] =	stream.linear.scatter [tilespmem:s10], [sflag:$0x3], $0x4000, $0x38;
	[tilespmem:$0x10200] =	vst v63  }
0x4d: {  	_ =	swait.ge [sflag:s3], $0x4000  }
0x4e: {  	[sflag:s3] =	ssyncset.done $0x0  }
0x4f: {  	[sflag:s3] =	ssyncadd.s32 $0xFFFFC000  }
0x50: {  	_ =	swait.ge [sflag:s18], $0x4000  }
0x51: {  	[sflag:s18] =	ssyncset.done $0x0  }
0x52: {  	[sflag:s18] =	ssyncadd.s32 $0xFFFFC000  }
0x53: {  	[hbm4b:s19+s2] =	stream.linear.scatter [tilespmem:s12], [sflag:$0x3], $0x4000, $0x38;
	[tilespmem:$0x10200] =	vst v63  }
0x54: {  	_ =	swait.ge [sflag:s3], $0x4000  }
0x55: {  	[sflag:s3] =	ssyncset.done $0x0  }
0x56: {  	[sflag:s3] =	ssyncadd.s32 $0xFFFFC000  }
0x57: {  	_ =	swait.ge [sflag:s18], $0x4000  }
.Ltmp1:
0x58: {  	[sflag:s18] =	ssyncset.done $0x0;
	(pc) =	sbr.rel @p0 .LBB2_1-.Ltmp1, $4  }
0x59: {  	[sflag:s18] =	ssyncadd.s32 $0xFFFFC000  }
0x5a: {  	[hbm4b:s20+s2] =	stream.linear.scatter [tilespmem:s14], [sflag:$0x3], $0x4000, $0x38;
	[tilespmem:$0x10200] =	vst v63  }
0x5b: {  	_ =	swait.ge [sflag:s3], $0x4000  }
0x5c: {  	[sflag:s3] =	ssyncset.done $0x0  }
.LBB2_2:
0x5d: {  	[sflag:s3] =	ssyncadd.s32 $0xFFFFC000  }
0x5e: {  	_ =	sfence.sel $0x180000  }
0x5f: {  	[bflag:$0x0] =	sbarrier.arrive $0xFFFF  }
0x60: {  	p0 =	sne.s32 s0, $0x0;
	_ =	strace $0x90000050  }
0x61: {  	s0 =	sadd.s32 @!p0 $0x100000, s1;
	[bflag:$0x2] =	sbarrier.arrive $0xFFFF  }
0x62: {  	[sflag:s0] =	ssyncadd.tile.s32 @!p0 $0x1;
	_ =	shalt  }
.Lfunc_end2:
_tile_overlayer_lowered:
.L_overlay_start_2:
0x63: {  	(tag) =	ssettag $0x2  }
0x64: {  	s0 =	rddreg [dreg:$0x0];
	s2 =	stileid.u32  }
0x65: {  	s1 =	rddreg [dreg:$0x1];
	p0 =	sne.s32 s2, $0x0  }
0x66: {  	s3 =	rddreg [dreg:$0x2];
	[bflag:$0x3] =	sbarrier.arrive $0xFFFF;
	s2 =	simm.s32 @!p0 $0x1C03  }
0x67: {  	[timem:s3], [sflag:s2] =	dma.local @!p0 [hbm:s0], s1  }
0x68: {  	s0 =	simm.s32 @!p0 $0x3  }
0x69: {  	_ =	swait.ge @!p0 [sflag:s0], s1  }
0x6a: {  	s1 =	ssub.s32 @!p0 $0x0, s1;
	[sflag:s0] =	ssyncset.done @!p0 $0x0  }
0x6b: {  	[sflag:s0] =	ssyncadd.s32 @!p0 s1  }
0x6c: {  	[bflag:$0x3] =	sbarrier.arrive $0xFFFF  }
0x6d: {  	_ =	shalt  }

</sc_bundles>
